<compile_context>
chip_gen: v7x
topology: tpu7x:2x2x1
jax: 0.10.2.dev20260603
libtpu: 0.0.44.dev20260713+nightly
codegen_flags: <defaults>
</compile_context>

<pallas_src>
import functools

import jax
import jax.numpy as jnp
from jax import lax
from jax.experimental import pallas as pl
from jax.experimental.pallas import tpu as pltpu
from jax.experimental.pallas import tpu_sc as plsc

N_NODES = 50000
K_MAX = 8
INPUT_BITS = 512
BATCH = 128
N_OUT = 10

NW = 32
NPAD = 51200
NT = NPAD // NW
BLK = 512
NBLK = NPAD // BLK
NG = 16
NQ = NPAD // 4
NBR = 98
ZROW = 50176


def _prep_body(states_ref, x_ref, wcol_ref, psel_ref, qlo_ref, qhi_ref,
               lut_ref, wplo_ref, wphi_ref, adjt_ref, maskt_ref,
               tbl_ref, lutw_ref, idxt_ref):
    i = pl.program_id(0)
    base = i * BLK
    wcol = wcol_ref[...]
    jcol = base + lax.broadcasted_iota(jnp.int32, (BLK, BLK), 1)
    m = (wcol == jcol).astype(jnp.float32)
    s = jnp.dot(x_ref[...], m, preferred_element_type=jnp.float32)
    pert = (states_ref[...] ^ s.astype(jnp.int32)).astype(jnp.float32)
    pk = jnp.dot(psel_ref[...], pert, preferred_element_type=jnp.float32)
    lo = jnp.dot(pk, qlo_ref[...], preferred_element_type=jnp.float32)
    hi = jnp.dot(pk, qhi_ref[...], preferred_element_type=jnp.float32)
    tbl_ref[...] = lo.astype(jnp.int32) | (hi.astype(jnp.int32) << 16)
    lut_f = lut_ref[...].astype(jnp.float32)
    llo = jnp.dot(lut_f, wplo_ref[...], preferred_element_type=jnp.float32)
    lhi = jnp.dot(lut_f, wphi_ref[...], preferred_element_type=jnp.float32)
    lutw_ref[...] = llo.astype(jnp.int32) | (lhi.astype(jnp.int32) << 16)
    mk = maskt_ref[...]
    idxt_ref[...] = jnp.clip(adjt_ref[...] * mk + ZROW * (1 - mk), 0, ZROW)


def _prep(states_p, x_f, w_col, psel, qlo, qhi, lut_p, wp_lo, wp_hi,
          adj_t, mask_t):
    return pl.pallas_call(
        _prep_body,
        grid=(NBLK,),
        in_specs=[
            pl.BlockSpec((BATCH, BLK), lambda i: (0, jnp.minimum(i, NBR - 1))),
            pl.BlockSpec((BATCH, INPUT_BITS), lambda i: (0, 0)),
            pl.BlockSpec((INPUT_BITS, 1), lambda i: (0, 0)),
            pl.BlockSpec((NG, BATCH), lambda i: (0, 0)),
            pl.BlockSpec((BLK, BLK // 4), lambda i: (0, 0)),
            pl.BlockSpec((BLK, BLK // 4), lambda i: (0, 0)),
            pl.BlockSpec((BLK, 256), lambda i: (jnp.minimum(i, NBR - 1), 0)),
            pl.BlockSpec((256, 8), lambda i: (0, 0)),
            pl.BlockSpec((256, 8), lambda i: (0, 0)),
            pl.BlockSpec((K_MAX, BLK), lambda i: (0, jnp.minimum(i, NBR - 1))),
            pl.BlockSpec((K_MAX, BLK), lambda i: (0, jnp.minimum(i, NBR - 1))),
        ],
        out_specs=[
            pl.BlockSpec((NG, BLK // 4), lambda i: (0, i)),
            pl.BlockSpec((BLK, 8), lambda i: (i, 0)),
            pl.BlockSpec((K_MAX, BLK), lambda i: (0, i)),
        ],
        out_shape=[
            jax.ShapeDtypeStruct((NG, NQ), jnp.int32),
            jax.ShapeDtypeStruct((NPAD, 8), jnp.int32),
            jax.ShapeDtypeStruct((K_MAX, NPAD), jnp.int32),
        ],
    )(states_p, x_f, w_col, psel, qlo, qhi, lut_p, wp_lo, wp_hi, adj_t, mask_t)


@functools.partial(
    pl.kernel,
    out_type=jax.ShapeDtypeStruct((NG * NPAD,), jnp.int32),
    mesh=plsc.VectorSubcoreMesh(core_axis_name="c", subcore_axis_name="s"),
    compiler_params=pltpu.CompilerParams(needs_layout_passes=False),
    scratch_types=[
        pltpu.VMEM((NQ,), jnp.int32),
        pltpu.VMEM((K_MAX * NT,), jnp.int32),
        pltpu.VMEM((NT * 8,), jnp.int32),
        pltpu.VMEM((NT,), jnp.int32),
    ],
)
def _sc_update(tblf_hbm, idxt_hbm, lutwf_hbm, out_hbm,
               tbl_v, idxt_v, lutw_v, row_v):
    wid = lax.axis_index("c") * 16 + lax.axis_index("s")
    nbase = wid * NT
    for k in range(K_MAX):
        pltpu.sync_copy(idxt_hbm.at[pl.ds(k * NPAD + nbase, NT)],
                        idxt_v.at[pl.ds(k * NT, NT)])
    pltpu.sync_copy(lutwf_hbm.at[pl.ds(nbase * 8, NT * 8)], lutw_v)
    iota16 = lax.iota(jnp.int32, 16)
    i8v = iota16 * 8

    def pass_body(p, carry):
        pltpu.sync_copy(tblf_hbm.at[pl.ds(p * NQ, NQ)], tbl_v)
        tbl_v[pl.ds(ZROW // 4, 16)] = iota16 * 0

        def grp_body(g, carry2):
            base = g * 16
            nl8 = base * 8 + i8v
            ws = []
            for k in range(K_MAX):
                a = idxt_v[pl.ds(k * NT + base, 16)]
                w = plsc.load_gather(tbl_v, [a >> 2])
                ws.append(w >> ((a & 3) << 3))
            accw = None
            for b in range(8):
                addr = None
                for k in range(K_MAX):
                    pos = 7 - k
                    if b >= pos:
                        t = (ws[k] >> (b - pos)) & (1 << pos)
                    else:
                        t = (ws[k] << (pos - b)) & (1 << pos)
                    addr = t if addr is None else addr | t
                word = plsc.load_gather(lutw_v, [nl8 + (addr >> 5)])
                bit = (word >> (addr & 31)) & 1
                bw = bit << b
                accw = bw if accw is None else accw | bw
            row_v[pl.ds(base, 16)] = accw
            return carry2

        lax.fori_loop(0, NT // 16, grp_body, 0)
        pltpu.sync_copy(row_v, out_hbm.at[pl.ds(p * NPAD + nbase, NT)])
        return carry

    lax.fori_loop(0, NG, pass_body, 0)


def _readout_body(opk_ref, w_ref, b_ref, e_ref, out_ref):
    i = pl.program_id(0)
    vf = jnp.transpose(opk_ref[...]).astype(jnp.float32)
    acc = jnp.dot(vf, e_ref[...],
                  preferred_element_type=jnp.float32).astype(jnp.int32)
    bl = lax.broadcasted_iota(jnp.int32, (BLK, BATCH), 1)
    bits = ((acc >> (bl & 7)) & 1).astype(jnp.float32)
    part = jnp.dot(w_ref[...], bits, preferred_element_type=jnp.float32)

    @pl.when(i == 0)
    def _init():
        out_ref[...] = jnp.zeros_like(out_ref)

    out_ref[...] += part

    @pl.when(i == NBLK - 1)
    def _fin():
        z = out_ref[...] + b_ref[...]
        out_ref[...] = 1.0 / (1.0 + jnp.exp(-z))


def _readout(opk, w_pad, b2d, emat):
    return pl.pallas_call(
        _readout_body,
        grid=(NBLK,),
        in_specs=[
            pl.BlockSpec((NG, BLK), lambda i: (0, i)),
            pl.BlockSpec((16, BLK), lambda i: (0, i)),
            pl.BlockSpec((16, BATCH), lambda i: (0, 0)),
            pl.BlockSpec((NG, BATCH), lambda i: (0, 0)),
        ],
        out_specs=pl.BlockSpec((16, BATCH), lambda i: (0, 0)),
        out_shape=jax.ShapeDtypeStruct((16, BATCH), jnp.float32),
    )(opk, w_pad, b2d, emat)


def kernel(x, states, adj_list, adj_list_mask, lut, powers_of_2, w_in, W_out, b_out):
    del powers_of_2
    adj_t = jnp.transpose(adj_list)
    mask_t = jnp.transpose(adj_list_mask)
    x_f = x.astype(jnp.float32)
    w_col = w_in.reshape(INPUT_BITS, 1).astype(jnp.int32)
    brow = jnp.arange(BATCH, dtype=jnp.int32)
    psel = ((brow[None, :] >> 3 == jnp.arange(NG, dtype=jnp.int32)[:, None])
            .astype(jnp.float32) * (2.0 ** (brow % 8).astype(jnp.float32))[None, :])
    jrow = jnp.arange(BLK, dtype=jnp.int32)
    qsel = (jrow[:, None] >> 2 == jnp.arange(BLK // 4, dtype=jnp.int32)[None, :])
    qpw = (2.0 ** (8.0 * (jrow % 4).astype(jnp.float32)))
    qlo = (qsel & (jrow[:, None] % 4 < 2)).astype(jnp.float32) * qpw[:, None]
    qhi = ((qsel & (jrow[:, None] % 4 >= 2)).astype(jnp.float32)
           * (2.0 ** (8.0 * (jrow % 4 - 2).astype(jnp.float32)))[:, None])
    cols = jnp.arange(256, dtype=jnp.int32)
    sel = (cols[:, None] // 32 == jnp.arange(8, dtype=jnp.int32)[None, :])
    pw = (2.0 ** (cols % 16).astype(jnp.float32))[:, None]
    wp_lo = (sel & (cols[:, None] % 32 < 16)).astype(jnp.float32) * pw
    wp_hi = (sel & (cols[:, None] % 32 >= 16)).astype(jnp.float32) * pw
    w_pad = jnp.pad(W_out, ((0, 16 - N_OUT), (0, NPAD - N_NODES)))
    b2d = jnp.broadcast_to(
        jnp.pad(b_out, (0, 16 - N_OUT)).reshape(16, 1), (16, BATCH))

    tbl, lutw, idx_t = _prep(states, x_f, w_col, psel, qlo, qhi, lut,
                             wp_lo, wp_hi, adj_t, mask_t)
    opk = _sc_update(tbl.reshape(-1), idx_t.reshape(-1), lutw.reshape(-1))
    emat = (brow[None, :] >> 3 ==
            jnp.arange(NG, dtype=jnp.int32)[:, None]).astype(jnp.float32)
    sig = _readout(opk.reshape(NG, NPAD), w_pad, b2d, emat)
    return jnp.transpose(sig[:N_OUT, :])

# --- scband reference (transcript-rebuilt; emitter-appended) ---
"""Pipeline reference for scband-boolean-reservoir-33432025432332 (READ-ONLY COPY).

The authoritative reference and input builder live on the scoring server;
editing this copy changes nothing except your own understanding.
"""

import jax, jax.numpy as jnp
import numpy as np

N_NODES = 50000
K_MAX = 8
N_INPUTS = 64
BITS_PER_FEATURE = 8
INPUT_BITS = N_INPUTS * BITS_PER_FEATURE  # 512
BATCH = 128
N_OUT = 10


def setup_inputs(seed: int = 0) -> dict:
    key = jax.random.key(seed)
    ks = jax.random.split(key, 8)
    # forward inputs
    x = jax.random.randint(ks[0], (BATCH, INPUT_BITS), 0, 2, dtype=jnp.int32)
    states = jax.random.randint(ks[1], (BATCH, N_NODES), 0, 2, dtype=jnp.int32)
    # reservoir parameters (materialized per init config)
    adj_list = jax.random.randint(ks[2], (N_NODES, K_MAX), 0, N_NODES, dtype=jnp.int32)
    deg = jax.random.randint(ks[3], (N_NODES,), 1, K_MAX + 1, dtype=jnp.int32)
    adj_list_mask = (jnp.arange(K_MAX, dtype=jnp.int32)[None, :] < deg[:, None]).astype(jnp.int32)
    lut = jax.random.randint(ks[4], (N_NODES, 2 ** K_MAX), 0, 2, dtype=jnp.int32)
    powers_of_2 = (2 ** jnp.arange(K_MAX)[::-1]).astype(jnp.int32)
    w_in = jax.random.permutation(ks[5], N_NODES)[:INPUT_BITS].astype(jnp.int32)
    # readout (nn.Linear(n_nodes, n_outputs))
    W_out = (jax.random.normal(ks[6], (N_OUT, N_NODES), dtype=jnp.float32) * 0.01)
    b_out = jnp.zeros((N_OUT,), dtype=jnp.float32)
    return {"x": x, "states": states, "adj_list": adj_list,
            "adj_list_mask": adj_list_mask, "lut": lut,
            "powers_of_2": powers_of_2, "w_in": w_in,
            "W_out": W_out, "b_out": b_out}


def reference(x, states, adj_list, adj_list_mask, lut, powers_of_2, w_in, W_out, b_out):
    # 1) input perturbation: XOR the input bits into the w_in node positions
    pert = jnp.bitwise_xor(states[:, w_in], x)
    states = states.at[:, w_in].set(pert)
    # 2) reservoir update: gather incoming-neighbor states per node (message passing)
    neigh = states[:, adj_list]                      # [B, N, K] gather
    neigh = neigh * adj_list_mask[None, :, :]        # zero padded slots
    addr = jnp.sum(neigh * powers_of_2[None, None, :], axis=-1)  # [B, N] bit-pattern -> int address
    node_idx = jnp.arange(N_NODES, dtype=jnp.int32)[None, :]
    new_states = lut[node_idx, addr]                 # per-node LUT gather -> [B, N]
    # 3) linear readout + output activation
    logits = new_states.astype(jnp.float32) @ W_out.T + b_out
    out = jax.nn.sigmoid(logits)
    return out

if __name__ == "__main__":
    import jax
    _d = setup_inputs()
    print(jax.jit(kernel)(*tuple(_d.values())))

</pallas_src>

<mosaic_0001>
#map = affine_map<(d0, d1) -> (0)>
module attributes {stable_mosaic.version = 14 : i64} {
  func.func @_sc_update(%arg0: i32, %arg1: i32, %arg2: memref<204800xi32, #tpu.memory_space<hbm>>, %arg3: memref<409600xi32, #tpu.memory_space<hbm>>, %arg4: memref<409600xi32, #tpu.memory_space<hbm>>, %arg5: memref<819200xi32, #tpu.memory_space<hbm>>, %arg6: memref<12800xi32, #tpu.memory_space<vmem>>, %arg7: memref<12800xi32, #tpu.memory_space<vmem>>, %arg8: memref<12800xi32, #tpu.memory_space<vmem>>, %arg9: memref<1600xi32, #tpu.memory_space<vmem>>) attributes {dimension_semantics = [#tpu.dimension_semantics<core_parallel>, #tpu.dimension_semantics<subcore_parallel>], iteration_bounds = array<i64: 2, 16>, scalar_prefetch = 0 : i64, scratch_operands = 4 : i64, tpu.core_type = #tpu.core_type<sc_vector_subcore>, window_params = [{transform_indices = #map}, {transform_indices = #map}, {transform_indices = #map}, {transform_indices = #map}]} {
    %mul3A = arith.constant 16 : i32
    %mul3A_0 = arith.muli %arg0, %mul3A : i32
    %add3A = arith.addi %mul3A_0, %arg1 : i32
    %mul3A_1 = arith.constant 1600 : i32
    %mul3A_2 = arith.muli %add3A, %mul3A_1 : i32
    %add3A_3 = arith.constant 0 : i32
    %add3A_4 = arith.addi %add3A_3, %mul3A_2 : i32
    "tpu.region"() ({
      %run_scoped3A = tpu.sem_alloc : memref<!tpu.dma_semaphore, #tpu.memory_space<semaphore_mem>>
      %dma_start3A = arith.constant 0 : i32
      %dma_start3A_29 = tpu.memref_slice %arg7[%dma_start3A] : memref<12800xi32, #tpu.memory_space<vmem>> -> memref<1600xi32, #tpu.memory_space<vmem>>
      %dma_start3A_30 = tpu.memref_slice %arg3[%add3A_4] : memref<409600xi32, #tpu.memory_space<hbm>> -> memref<1600xi32, #tpu.memory_space<hbm>>
      %dma_start3A_31 = arith.constant 0 : i32
      %dma_start3A_32 = tpu.memref_slice %arg7[%dma_start3A_31] : memref<12800xi32, #tpu.memory_space<vmem>> -> memref<1600xi32, #tpu.memory_space<vmem>>
      %dma_start3A_33 = tpu.memref_slice %arg3[%add3A_4] : memref<409600xi32, #tpu.memory_space<hbm>> -> memref<1600xi32, #tpu.memory_space<hbm>>
      tpu.enqueue_dma source(%dma_start3A_33 : memref<1600xi32, #tpu.memory_space<hbm>>) target(%dma_start3A_32 : memref<1600xi32, #tpu.memory_space<vmem>>) target_semaphore(%run_scoped3A : memref<!tpu.dma_semaphore, #tpu.memory_space<semaphore_mem>>)
      %dma_wait3A = arith.constant 0 : i32
      %dma_wait3A_34 = tpu.memref_slice %arg7[%dma_wait3A] : memref<12800xi32, #tpu.memory_space<vmem>> -> memref<1600xi32, #tpu.memory_space<vmem>>
      %dma_wait3A_35 = tpu.memref_slice %arg3[%add3A_4] : memref<409600xi32, #tpu.memory_space<hbm>> -> memref<1600xi32, #tpu.memory_space<hbm>>
      %dma_wait3A_36 = arith.constant 0 : i32
      %dma_wait3A_37 = tpu.memref_slice %arg7[%dma_wait3A_36] : memref<12800xi32, #tpu.memory_space<vmem>> -> memref<1600xi32, #tpu.memory_space<vmem>>
      %dma_wait3A_38 = tpu.memref_slice %arg3[%add3A_4] : memref<409600xi32, #tpu.memory_space<hbm>> -> memref<1600xi32, #tpu.memory_space<hbm>>
      tpu.wait_dma2 semaphore(%run_scoped3A : memref<!tpu.dma_semaphore, #tpu.memory_space<semaphore_mem>>) src(%dma_wait3A_38 : memref<1600xi32, #tpu.memory_space<hbm>>) dst(%dma_wait3A_37 : memref<1600xi32, #tpu.memory_space<vmem>>)
      tpu.yield
    }) : () -> ()
    %add3A_5 = arith.constant 51200 : i32
    %add3A_6 = arith.addi %add3A_5, %mul3A_2 : i32
    "tpu.region"() ({
      %run_scoped3A = tpu.sem_alloc : memref<!tpu.dma_semaphore, #tpu.memory_space<semaphore_mem>>
      %dma_start3A = arith.constant 1600 : i32
      %dma_start3A_29 = tpu.memref_slice %arg7[%dma_start3A] : memref<12800xi32, #tpu.memory_space<vmem>> -> memref<1600xi32, #tpu.memory_space<vmem>>
      %dma_start3A_30 = tpu.memref_slice %arg3[%add3A_6] : memref<409600xi32, #tpu.memory_space<hbm>> -> memref<1600xi32, #tpu.memory_space<hbm>>
      %dma_start3A_31 = arith.constant 1600 : i32
      %dma_start3A_32 = tpu.memref_slice %arg7[%dma_start3A_31] : memref<12800xi32, #tpu.memory_space<vmem>> -> memref<1600xi32, #tpu.memory_space<vmem>>
      %dma_start3A_33 = tpu.memref_slice %arg3[%add3A_6] : memref<409600xi32, #tpu.memory_space<hbm>> -> memref<1600xi32, #tpu.memory_space<hbm>>
      tpu.enqueue_dma source(%dma_start3A_33 : memref<1600xi32, #tpu.memory_space<hbm>>) target(%dma_start3A_32 : memref<1600xi32, #tpu.memory_space<vmem>>) target_semaphore(%run_scoped3A : memref<!tpu.dma_semaphore, #tpu.memory_space<semaphore_mem>>)
      %dma_wait3A = arith.constant 1600 : i32
      %dma_wait3A_34 = tpu.memref_slice %arg7[%dma_wait3A] : memref<12800xi32, #tpu.memory_space<vmem>> -> memref<1600xi32, #tpu.memory_space<vmem>>
      %dma_wait3A_35 = tpu.memref_slice %arg3[%add3A_6] : memref<409600xi32, #tpu.memory_space<hbm>> -> memref<1600xi32, #tpu.memory_space<hbm>>
      %dma_wait3A_36 = arith.constant 1600 : i32
      %dma_wait3A_37 = tpu.memref_slice %arg7[%dma_wait3A_36] : memref<12800xi32, #tpu.memory_space<vmem>> -> memref<1600xi32, #tpu.memory_space<vmem>>
      %dma_wait3A_38 = tpu.memref_slice %arg3[%add3A_6] : memref<409600xi32, #tpu.memory_space<hbm>> -> memref<1600xi32, #tpu.memory_space<hbm>>
      tpu.wait_dma2 semaphore(%run_scoped3A : memref<!tpu.dma_semaphore, #tpu.memory_space<semaphore_mem>>) src(%dma_wait3A_38 : memref<1600xi32, #tpu.memory_space<hbm>>) dst(%dma_wait3A_37 : memref<1600xi32, #tpu.memory_space<vmem>>)
      tpu.yield
    }) : () -> ()
    %add3A_7 = arith.constant 102400 : i32
    %add3A_8 = arith.addi %add3A_7, %mul3A_2 : i32
    "tpu.region"() ({
      %run_scoped3A = tpu.sem_alloc : memref<!tpu.dma_semaphore, #tpu.memory_space<semaphore_mem>>
      %dma_start3A = arith.constant 3200 : i32
      %dma_start3A_29 = tpu.memref_slice %arg7[%dma_start3A] : memref<12800xi32, #tpu.memory_space<vmem>> -> memref<1600xi32, #tpu.memory_space<vmem>>
      %dma_start3A_30 = tpu.memref_slice %arg3[%add3A_8] : memref<409600xi32, #tpu.memory_space<hbm>> -> memref<1600xi32, #tpu.memory_space<hbm>>
      %dma_start3A_31 = arith.constant 3200 : i32
      %dma_start3A_32 = tpu.memref_slice %arg7[%dma_start3A_31] : memref<12800xi32, #tpu.memory_space<vmem>> -> memref<1600xi32, #tpu.memory_space<vmem>>
      %dma_start3A_33 = tpu.memref_slice %arg3[%add3A_8] : memref<409600xi32, #tpu.memory_space<hbm>> -> memref<1600xi32, #tpu.memory_space<hbm>>
      tpu.enqueue_dma source(%dma_start3A_33 : memref<1600xi32, #tpu.memory_space<hbm>>) target(%dma_start3A_32 : memref<1600xi32, #tpu.memory_space<vmem>>) target_semaphore(%run_scoped3A : memref<!tpu.dma_semaphore, #tpu.memory_space<semaphore_mem>>)
      %dma_wait3A = arith.constant 3200 : i32
      %dma_wait3A_34 = tpu.memref_slice %arg7[%dma_wait3A] : memref<12800xi32, #tpu.memory_space<vmem>> -> memref<1600xi32, #tpu.memory_space<vmem>>
      %dma_wait3A_35 = tpu.memref_slice %arg3[%add3A_8] : memref<409600xi32, #tpu.memory_space<hbm>> -> memref<1600xi32, #tpu.memory_space<hbm>>
      %dma_wait3A_36 = arith.constant 3200 : i32
      %dma_wait3A_37 = tpu.memref_slice %arg7[%dma_wait3A_36] : memref<12800xi32, #tpu.memory_space<vmem>> -> memref<1600xi32, #tpu.memory_space<vmem>>
      %dma_wait3A_38 = tpu.memref_slice %arg3[%add3A_8] : memref<409600xi32, #tpu.memory_space<hbm>> -> memref<1600xi32, #tpu.memory_space<hbm>>
      tpu.wait_dma2 semaphore(%run_scoped3A : memref<!tpu.dma_semaphore, #tpu.memory_space<semaphore_mem>>) src(%dma_wait3A_38 : memref<1600xi32, #tpu.memory_space<hbm>>) dst(%dma_wait3A_37 : memref<1600xi32, #tpu.memory_space<vmem>>)
      tpu.yield
    }) : () -> ()
    %add3A_9 = arith.constant 153600 : i32
    %add3A_10 = arith.addi %add3A_9, %mul3A_2 : i32
    "tpu.region"() ({
      %run_scoped3A = tpu.sem_alloc : memref<!tpu.dma_semaphore, #tpu.memory_space<semaphore_mem>>
      %dma_start3A = arith.constant 4800 : i32
      %dma_start3A_29 = tpu.memref_slice %arg7[%dma_start3A] : memref<12800xi32, #tpu.memory_space<vmem>> -> memref<1600xi32, #tpu.memory_space<vmem>>
      %dma_start3A_30 = tpu.memref_slice %arg3[%add3A_10] : memref<409600xi32, #tpu.memory_space<hbm>> -> memref<1600xi32, #tpu.memory_space<hbm>>
      %dma_start3A_31 = arith.constant 4800 : i32
      %dma_start3A_32 = tpu.memref_slice %arg7[%dma_start3A_31] : memref<12800xi32, #tpu.memory_space<vmem>> -> memref<1600xi32, #tpu.memory_space<vmem>>
      %dma_start3A_33 = tpu.memref_slice %arg3[%add3A_10] : memref<409600xi32, #tpu.memory_space<hbm>> -> memref<1600xi32, #tpu.memory_space<hbm>>
      tpu.enqueue_dma source(%dma_start3A_33 : memref<1600xi32, #tpu.memory_space<hbm>>) target(%dma_start3A_32 : memref<1600xi32, #tpu.memory_space<vmem>>) target_semaphore(%run_scoped3A : memref<!tpu.dma_semaphore, #tpu.memory_space<semaphore_mem>>)
      %dma_wait3A = arith.constant 4800 : i32
      %dma_wait3A_34 = tpu.memref_slice %arg7[%dma_wait3A] : memref<12800xi32, #tpu.memory_space<vmem>> -> memref<1600xi32, #tpu.memory_space<vmem>>
      %dma_wait3A_35 = tpu.memref_slice %arg3[%add3A_10] : memref<409600xi32, #tpu.memory_space<hbm>> -> memref<1600xi32, #tpu.memory_space<hbm>>
      %dma_wait3A_36 = arith.constant 4800 : i32
      %dma_wait3A_37 = tpu.memref_slice %arg7[%dma_wait3A_36] : memref<12800xi32, #tpu.memory_space<vmem>> -> memref<1600xi32, #tpu.memory_space<vmem>>
      %dma_wait3A_38 = tpu.memref_slice %arg3[%add3A_10] : memref<409600xi32, #tpu.memory_space<hbm>> -> memref<1600xi32, #tpu.memory_space<hbm>>
      tpu.wait_dma2 semaphore(%run_scoped3A : memref<!tpu.dma_semaphore, #tpu.memory_space<semaphore_mem>>) src(%dma_wait3A_38 : memref<1600xi32, #tpu.memory_space<hbm>>) dst(%dma_wait3A_37 : memref<1600xi32, #tpu.memory_space<vmem>>)
      tpu.yield
    }) : () -> ()
    %add3A_11 = arith.constant 204800 : i32
    %add3A_12 = arith.addi %add3A_11, %mul3A_2 : i32
    "tpu.region"() ({
      %run_scoped3A = tpu.sem_alloc : memref<!tpu.dma_semaphore, #tpu.memory_space<semaphore_mem>>
      %dma_start3A = arith.constant 6400 : i32
      %dma_start3A_29 = tpu.memref_slice %arg7[%dma_start3A] : memref<12800xi32, #tpu.memory_space<vmem>> -> memref<1600xi32, #tpu.memory_space<vmem>>
      %dma_start3A_30 = tpu.memref_slice %arg3[%add3A_12] : memref<409600xi32, #tpu.memory_space<hbm>> -> memref<1600xi32, #tpu.memory_space<hbm>>
      %dma_start3A_31 = arith.constant 6400 : i32
      %dma_start3A_32 = tpu.memref_slice %arg7[%dma_start3A_31] : memref<12800xi32, #tpu.memory_space<vmem>> -> memref<1600xi32, #tpu.memory_space<vmem>>
      %dma_start3A_33 = tpu.memref_slice %arg3[%add3A_12] : memref<409600xi32, #tpu.memory_space<hbm>> -> memref<1600xi32, #tpu.memory_space<hbm>>
      tpu.enqueue_dma source(%dma_start3A_33 : memref<1600xi32, #tpu.memory_space<hbm>>) target(%dma_start3A_32 : memref<1600xi32, #tpu.memory_space<vmem>>) target_semaphore(%run_scoped3A : memref<!tpu.dma_semaphore, #tpu.memory_space<semaphore_mem>>)
      %dma_wait3A = arith.constant 6400 : i32
      %dma_wait3A_34 = tpu.memref_slice %arg7[%dma_wait3A] : memref<12800xi32, #tpu.memory_space<vmem>> -> memref<1600xi32, #tpu.memory_space<vmem>>
      %dma_wait3A_35 = tpu.memref_slice %arg3[%add3A_12] : memref<409600xi32, #tpu.memory_space<hbm>> -> memref<1600xi32, #tpu.memory_space<hbm>>
      %dma_wait3A_36 = arith.constant 6400 : i32
      %dma_wait3A_37 = tpu.memref_slice %arg7[%dma_wait3A_36] : memref<12800xi32, #tpu.memory_space<vmem>> -> memref<1600xi32, #tpu.memory_space<vmem>>
      %dma_wait3A_38 = tpu.memref_slice %arg3[%add3A_12] : memref<409600xi32, #tpu.memory_space<hbm>> -> memref<1600xi32, #tpu.memory_space<hbm>>
      tpu.wait_dma2 semaphore(%run_scoped3A : memref<!tpu.dma_semaphore, #tpu.memory_space<semaphore_mem>>) src(%dma_wait3A_38 : memref<1600xi32, #tpu.memory_space<hbm>>) dst(%dma_wait3A_37 : memref<1600xi32, #tpu.memory_space<vmem>>)
      tpu.yield
    }) : () -> ()
    %add3A_13 = arith.constant 256000 : i32
    %add3A_14 = arith.addi %add3A_13, %mul3A_2 : i32
    "tpu.region"() ({
      %run_scoped3A = tpu.sem_alloc : memref<!tpu.dma_semaphore, #tpu.memory_space<semaphore_mem>>
      %dma_start3A = arith.constant 8000 : i32
      %dma_start3A_29 = tpu.memref_slice %arg7[%dma_start3A] : memref<12800xi32, #tpu.memory_space<vmem>> -> memref<1600xi32, #tpu.memory_space<vmem>>
      %dma_start3A_30 = tpu.memref_slice %arg3[%add3A_14] : memref<409600xi32, #tpu.memory_space<hbm>> -> memref<1600xi32, #tpu.memory_space<hbm>>
      %dma_start3A_31 = arith.constant 8000 : i32
      %dma_start3A_32 = tpu.memref_slice %arg7[%dma_start3A_31] : memref<12800xi32, #tpu.memory_space<vmem>> -> memref<1600xi32, #tpu.memory_space<vmem>>
      %dma_start3A_33 = tpu.memref_slice %arg3[%add3A_14] : memref<409600xi32, #tpu.memory_space<hbm>> -> memref<1600xi32, #tpu.memory_space<hbm>>
      tpu.enqueue_dma source(%dma_start3A_33 : memref<1600xi32, #tpu.memory_space<hbm>>) target(%dma_start3A_32 : memref<1600xi32, #tpu.memory_space<vmem>>) target_semaphore(%run_scoped3A : memref<!tpu.dma_semaphore, #tpu.memory_space<semaphore_mem>>)
      %dma_wait3A = arith.constant 8000 : i32
      %dma_wait3A_34 = tpu.memref_slice %arg7[%dma_wait3A] : memref<12800xi32, #tpu.memory_space<vmem>> -> memref<1600xi32, #tpu.memory_space<vmem>>
      %dma_wait3A_35 = tpu.memref_slice %arg3[%add3A_14] : memref<409600xi32, #tpu.memory_space<hbm>> -> memref<1600xi32, #tpu.memory_space<hbm>>
      %dma_wait3A_36 = arith.constant 8000 : i32
      %dma_wait3A_37 = tpu.memref_slice %arg7[%dma_wait3A_36] : memref<12800xi32, #tpu.memory_space<vmem>> -> memref<1600xi32, #tpu.memory_space<vmem>>
      %dma_wait3A_38 = tpu.memref_slice %arg3[%add3A_14] : memref<409600xi32, #tpu.memory_space<hbm>> -> memref<1600xi32, #tpu.memory_space<hbm>>
      tpu.wait_dma2 semaphore(%run_scoped3A : memref<!tpu.dma_semaphore, #tpu.memory_space<semaphore_mem>>) src(%dma_wait3A_38 : memref<1600xi32, #tpu.memory_space<hbm>>) dst(%dma_wait3A_37 : memref<1600xi32, #tpu.memory_space<vmem>>)
      tpu.yield
    }) : () -> ()
    %add3A_15 = arith.constant 307200 : i32
    %add3A_16 = arith.addi %add3A_15, %mul3A_2 : i32
    "tpu.region"() ({
      %run_scoped3A = tpu.sem_alloc : memref<!tpu.dma_semaphore, #tpu.memory_space<semaphore_mem>>
      %dma_start3A = arith.constant 9600 : i32
      %dma_start3A_29 = tpu.memref_slice %arg7[%dma_start3A] : memref<12800xi32, #tpu.memory_space<vmem>> -> memref<1600xi32, #tpu.memory_space<vmem>>
      %dma_start3A_30 = tpu.memref_slice %arg3[%add3A_16] : memref<409600xi32, #tpu.memory_space<hbm>> -> memref<1600xi32, #tpu.memory_space<hbm>>
      %dma_start3A_31 = arith.constant 9600 : i32
      %dma_start3A_32 = tpu.memref_slice %arg7[%dma_start3A_31] : memref<12800xi32, #tpu.memory_space<vmem>> -> memref<1600xi32, #tpu.memory_space<vmem>>
      %dma_start3A_33 = tpu.memref_slice %arg3[%add3A_16] : memref<409600xi32, #tpu.memory_space<hbm>> -> memref<1600xi32, #tpu.memory_space<hbm>>
      tpu.enqueue_dma source(%dma_start3A_33 : memref<1600xi32, #tpu.memory_space<hbm>>) target(%dma_start3A_32 : memref<1600xi32, #tpu.memory_space<vmem>>) target_semaphore(%run_scoped3A : memref<!tpu.dma_semaphore, #tpu.memory_space<semaphore_mem>>)
      %dma_wait3A = arith.constant 9600 : i32
      %dma_wait3A_34 = tpu.memref_slice %arg7[%dma_wait3A] : memref<12800xi32, #tpu.memory_space<vmem>> -> memref<1600xi32, #tpu.memory_space<vmem>>
      %dma_wait3A_35 = tpu.memref_slice %arg3[%add3A_16] : memref<409600xi32, #tpu.memory_space<hbm>> -> memref<1600xi32, #tpu.memory_space<hbm>>
      %dma_wait3A_36 = arith.constant 9600 : i32
      %dma_wait3A_37 = tpu.memref_slice %arg7[%dma_wait3A_36] : memref<12800xi32, #tpu.memory_space<vmem>> -> memref<1600xi32, #tpu.memory_space<vmem>>
      %dma_wait3A_38 = tpu.memref_slice %arg3[%add3A_16] : memref<409600xi32, #tpu.memory_space<hbm>> -> memref<1600xi32, #tpu.memory_space<hbm>>
      tpu.wait_dma2 semaphore(%run_scoped3A : memref<!tpu.dma_semaphore, #tpu.memory_space<semaphore_mem>>) src(%dma_wait3A_38 : memref<1600xi32, #tpu.memory_space<hbm>>) dst(%dma_wait3A_37 : memref<1600xi32, #tpu.memory_space<vmem>>)
      tpu.yield
    }) : () -> ()
    %add3A_17 = arith.constant 358400 : i32
    %add3A_18 = arith.addi %add3A_17, %mul3A_2 : i32
    "tpu.region"() ({
      %run_scoped3A = tpu.sem_alloc : memref<!tpu.dma_semaphore, #tpu.memory_space<semaphore_mem>>
      %dma_start3A = arith.constant 11200 : i32
      %dma_start3A_29 = tpu.memref_slice %arg7[%dma_start3A] : memref<12800xi32, #tpu.memory_space<vmem>> -> memref<1600xi32, #tpu.memory_space<vmem>>
      %dma_start3A_30 = tpu.memref_slice %arg3[%add3A_18] : memref<409600xi32, #tpu.memory_space<hbm>> -> memref<1600xi32, #tpu.memory_space<hbm>>
      %dma_start3A_31 = arith.constant 11200 : i32
      %dma_start3A_32 = tpu.memref_slice %arg7[%dma_start3A_31] : memref<12800xi32, #tpu.memory_space<vmem>> -> memref<1600xi32, #tpu.memory_space<vmem>>
      %dma_start3A_33 = tpu.memref_slice %arg3[%add3A_18] : memref<409600xi32, #tpu.memory_space<hbm>> -> memref<1600xi32, #tpu.memory_space<hbm>>
      tpu.enqueue_dma source(%dma_start3A_33 : memref<1600xi32, #tpu.memory_space<hbm>>) target(%dma_start3A_32 : memref<1600xi32, #tpu.memory_space<vmem>>) target_semaphore(%run_scoped3A : memref<!tpu.dma_semaphore, #tpu.memory_space<semaphore_mem>>)
      %dma_wait3A = arith.constant 11200 : i32
      %dma_wait3A_34 = tpu.memref_slice %arg7[%dma_wait3A] : memref<12800xi32, #tpu.memory_space<vmem>> -> memref<1600xi32, #tpu.memory_space<vmem>>
      %dma_wait3A_35 = tpu.memref_slice %arg3[%add3A_18] : memref<409600xi32, #tpu.memory_space<hbm>> -> memref<1600xi32, #tpu.memory_space<hbm>>
      %dma_wait3A_36 = arith.constant 11200 : i32
      %dma_wait3A_37 = tpu.memref_slice %arg7[%dma_wait3A_36] : memref<12800xi32, #tpu.memory_space<vmem>> -> memref<1600xi32, #tpu.memory_space<vmem>>
      %dma_wait3A_38 = tpu.memref_slice %arg3[%add3A_18] : memref<409600xi32, #tpu.memory_space<hbm>> -> memref<1600xi32, #tpu.memory_space<hbm>>
      tpu.wait_dma2 semaphore(%run_scoped3A : memref<!tpu.dma_semaphore, #tpu.memory_space<semaphore_mem>>) src(%dma_wait3A_38 : memref<1600xi32, #tpu.memory_space<hbm>>) dst(%dma_wait3A_37 : memref<1600xi32, #tpu.memory_space<vmem>>)
      tpu.yield
    }) : () -> ()
    %mul3A_19 = arith.constant 8 : i32
    %mul3A_20 = arith.muli %mul3A_2, %mul3A_19 : i32
    "tpu.region"() ({
      %run_scoped3A = tpu.sem_alloc : memref<!tpu.dma_semaphore, #tpu.memory_space<semaphore_mem>>
      %dma_start3A = tpu.memref_slice %arg4[%mul3A_20] : memref<409600xi32, #tpu.memory_space<hbm>> -> memref<12800xi32, #tpu.memory_space<hbm>>
      %dma_start3A_29 = tpu.memref_slice %arg4[%mul3A_20] : memref<409600xi32, #tpu.memory_space<hbm>> -> memref<12800xi32, #tpu.memory_space<hbm>>
      tpu.enqueue_dma source(%dma_start3A_29 : memref<12800xi32, #tpu.memory_space<hbm>>) target(%arg8 : memref<12800xi32, #tpu.memory_space<vmem>>) target_semaphore(%run_scoped3A : memref<!tpu.dma_semaphore, #tpu.memory_space<semaphore_mem>>)
      %dma_wait3A = tpu.memref_slice %arg4[%mul3A_20] : memref<409600xi32, #tpu.memory_space<hbm>> -> memref<12800xi32, #tpu.memory_space<hbm>>
      %dma_wait3A_30 = tpu.memref_slice %arg4[%mul3A_20] : memref<409600xi32, #tpu.memory_space<hbm>> -> memref<12800xi32, #tpu.memory_space<hbm>>
      tpu.wait_dma2 semaphore(%run_scoped3A : memref<!tpu.dma_semaphore, #tpu.memory_space<semaphore_mem>>) src(%dma_wait3A_30 : memref<12800xi32, #tpu.memory_space<hbm>>) dst(%arg8 : memref<12800xi32, #tpu.memory_space<vmem>>)
      tpu.yield
    }) : () -> ()
    %iota3A = tpu.iota {dimensions = array<i32: 0>} : vector<16xi32>
    %mul3A_21 = arith.constant 8 : i32
    %mul3A_22 = vector.broadcast %mul3A_21 : i32 to vector<16xi32>
    %mul3A_23 = arith.muli %iota3A, %mul3A_22 : vector<16xi32>
    %scan3A = arith.constant 0 : i32
    %scan3A_24 = arith.constant 0 : i32
    %scan3A_25 = arith.constant 16 : i32
    %scan3A_26 = arith.addi %scan3A_24, %scan3A_25 : i32
    %scan3A_27 = arith.constant 1 : i32
    scf.for %scan3A_29 = %scan3A_24 to %scan3A_26 step %scan3A_27  : i32 {
      %mul3A_30 = arith.constant 12800 : i32
      %mul3A_31 = arith.muli %scan3A_29, %mul3A_30 : i32
      "tpu.region"() ({
        %run_scoped3A = tpu.sem_alloc : memref<!tpu.dma_semaphore, #tpu.memory_space<semaphore_mem>>
        %dma_start3A = tpu.memref_slice %arg2[%mul3A_31] : memref<204800xi32, #tpu.memory_space<hbm>> -> memref<12800xi32, #tpu.memory_space<hbm>>
        %dma_start3A_45 = tpu.memref_slice %arg2[%mul3A_31] : memref<204800xi32, #tpu.memory_space<hbm>> -> memref<12800xi32, #tpu.memory_space<hbm>>
        tpu.enqueue_dma source(%dma_start3A_45 : memref<12800xi32, #tpu.memory_space<hbm>>) target(%arg6 : memref<12800xi32, #tpu.memory_space<vmem>>) target_semaphore(%run_scoped3A : memref<!tpu.dma_semaphore, #tpu.memory_space<semaphore_mem>>)
        %dma_wait3A = tpu.memref_slice %arg2[%mul3A_31] : memref<204800xi32, #tpu.memory_space<hbm>> -> memref<12800xi32, #tpu.memory_space<hbm>>
        %dma_wait3A_46 = tpu.memref_slice %arg2[%mul3A_31] : memref<204800xi32, #tpu.memory_space<hbm>> -> memref<12800xi32, #tpu.memory_space<hbm>>
        tpu.wait_dma2 semaphore(%run_scoped3A : memref<!tpu.dma_semaphore, #tpu.memory_space<semaphore_mem>>) src(%dma_wait3A_46 : memref<12800xi32, #tpu.memory_space<hbm>>) dst(%arg6 : memref<12800xi32, #tpu.memory_space<vmem>>)
        tpu.yield
      }) : () -> ()
      %mul3A_32 = arith.constant 0 : i32
      %mul3A_33 = vector.broadcast %mul3A_32 : i32 to vector<16xi32>
      %mul3A_34 = arith.muli %iota3A, %mul3A_33 : vector<16xi32>
      %swap3A = arith.constant 12544 : index
      %swap3A_35 = tpu.vector_load %arg6[%swap3A] {strides = array<i32>} : memref<12800xi32, #tpu.memory_space<vmem>>, vector<16xi32>,
      tpu.vector_store %arg6[%swap3A], %mul3A_34 {strides = array<i32>} : memref<12800xi32, #tpu.memory_space<vmem>>, vector<16xi32>,
      %scan3A_36 = arith.constant 0 : i32
      %scan3A_37 = arith.constant 0 : i32
      %scan3A_38 = arith.constant 100 : i32
      %scan3A_39 = arith.addi %scan3A_37, %scan3A_38 : i32
      %scan3A_40 = arith.constant 1 : i32
      scf.for %scan3A_45 = %scan3A_37 to %scan3A_39 step %scan3A_40  : i32 {
        %mul3A_46 = arith.constant 16 : i32
        %mul3A_47 = arith.muli %scan3A_45, %mul3A_46 : i32
        %mul3A_48 = arith.constant 8 : i32
        %mul3A_49 = arith.muli %mul3A_47, %mul3A_48 : i32
        %add3A_50 = vector.broadcast %mul3A_49 : i32 to vector<16xi32>
        %add3A_51 = arith.addi %add3A_50, %mul3A_23 : vector<16xi32>
        %add3A_52 = arith.constant 0 : i32
        %add3A_53 = arith.addi %add3A_52, %mul3A_47 : i32
        %get3A = arith.index_cast %add3A_53 : i32 to index
        %get3A_54 = tpu.vector_load %arg7[%get3A] {strides = array<i32>} : memref<12800xi32, #tpu.memory_space<vmem>>, vector<16xi32>,
        %shift_right_arithmetic3A = arith.constant 2 : i32
        %shift_right_arithmetic3A_55 = vector.broadcast %shift_right_arithmetic3A : i32 to vector<16xi32>
        %shift_right_arithmetic3A_56 = arith.shrsi %get3A_54, %shift_right_arithmetic3A_55 : vector<16xi32>
        %gather3A = tpu.vector_load_idx %arg6[%shift_right_arithmetic3A_56] : memref<12800xi32, #tpu.memory_space<vmem>>[vector<16xi32>], vector<16xi32>,
        %and3A = arith.constant 3 : i32
        %and3A_57 = vector.broadcast %and3A : i32 to vector<16xi32>
        %and3A_58 = arith.andi %get3A_54, %and3A_57 : vector<16xi32>
        %shift_left3A = arith.constant 3 : i32
        %shift_left3A_59 = vector.broadcast %shift_left3A : i32 to vector<16xi32>
        %shift_left3A_60 = arith.shli %and3A_58, %shift_left3A_59 : vector<16xi32>
        %shift_right_arithmetic3A_61 = arith.shrsi %gather3A, %shift_left3A_60 : vector<16xi32>
        %add3A_62 = arith.constant 1600 : i32
        %add3A_63 = arith.addi %add3A_62, %mul3A_47 : i32
        %get3A_64 = arith.index_cast %add3A_63 : i32 to index
        %get3A_65 = tpu.vector_load %arg7[%get3A_64] {strides = array<i32>} : memref<12800xi32, #tpu.memory_space<vmem>>, vector<16xi32>,
        %shift_right_arithmetic3A_66 = arith.constant 2 : i32
        %shift_right_arithmetic3A_67 = vector.broadcast %shift_right_arithmetic3A_66 : i32 to vector<16xi32>
        %shift_right_arithmetic3A_68 = arith.shrsi %get3A_65, %shift_right_arithmetic3A_67 : vector<16xi32>
        %gather3A_69 = tpu.vector_load_idx %arg6[%shift_right_arithmetic3A_68] : memref<12800xi32, #tpu.memory_space<vmem>>[vector<16xi32>], vector<16xi32>,
        %and3A_70 = arith.constant 3 : i32
        %and3A_71 = vector.broadcast %and3A_70 : i32 to vector<16xi32>
        %and3A_72 = arith.andi %get3A_65, %and3A_71 : vector<16xi32>
        %shift_left3A_73 = arith.constant 3 : i32
        %shift_left3A_74 = vector.broadcast %shift_left3A_73 : i32 to vector<16xi32>
        %shift_left3A_75 = arith.shli %and3A_72, %shift_left3A_74 : vector<16xi32>
        %shift_right_arithmetic3A_76 = arith.shrsi %gather3A_69, %shift_left3A_75 : vector<16xi32>
        %add3A_77 = arith.constant 3200 : i32
        %add3A_78 = arith.addi %add3A_77, %mul3A_47 : i32
        %get3A_79 = arith.index_cast %add3A_78 : i32 to index
        %get3A_80 = tpu.vector_load %arg7[%get3A_79] {strides = array<i32>} : memref<12800xi32, #tpu.memory_space<vmem>>, vector<16xi32>,
        %shift_right_arithmetic3A_81 = arith.constant 2 : i32
        %shift_right_arithmetic3A_82 = vector.broadcast %shift_right_arithmetic3A_81 : i32 to vector<16xi32>
        %shift_right_arithmetic3A_83 = arith.shrsi %get3A_80, %shift_right_arithmetic3A_82 : vector<16xi32>
        %gather3A_84 = tpu.vector_load_idx %arg6[%shift_right_arithmetic3A_83] : memref<12800xi32, #tpu.memory_space<vmem>>[vector<16xi32>], vector<16xi32>,
        %and3A_85 = arith.constant 3 : i32
        %and3A_86 = vector.broadcast %and3A_85 : i32 to vector<16xi32>
        %and3A_87 = arith.andi %get3A_80, %and3A_86 : vector<16xi32>
        %shift_left3A_88 = arith.constant 3 : i32
        %shift_left3A_89 = vector.broadcast %shift_left3A_88 : i32 to vector<16xi32>
        %shift_left3A_90 = arith.shli %and3A_87, %shift_left3A_89 : vector<16xi32>
        %shift_right_arithmetic3A_91 = arith.shrsi %gather3A_84, %shift_left3A_90 : vector<16xi32>
        %add3A_92 = arith.constant 4800 : i32
        %add3A_93 = arith.addi %add3A_92, %mul3A_47 : i32
        %get3A_94 = arith.index_cast %add3A_93 : i32 to index
        %get3A_95 = tpu.vector_load %arg7[%get3A_94] {strides = array<i32>} : memref<12800xi32, #tpu.memory_space<vmem>>, vector<16xi32>,
        %shift_right_arithmetic3A_96 = arith.constant 2 : i32
        %shift_right_arithmetic3A_97 = vector.broadcast %shift_right_arithmetic3A_96 : i32 to vector<16xi32>
        %shift_right_arithmetic3A_98 = arith.shrsi %get3A_95, %shift_right_arithmetic3A_97 : vector<16xi32>
        %gather3A_99 = tpu.vector_load_idx %arg6[%shift_right_arithmetic3A_98] : memref<12800xi32, #tpu.memory_space<vmem>>[vector<16xi32>], vector<16xi32>,
        %and3A_100 = arith.constant 3 : i32
        %and3A_101 = vector.broadcast %and3A_100 : i32 to vector<16xi32>
        %and3A_102 = arith.andi %get3A_95, %and3A_101 : vector<16xi32>
        %shift_left3A_103 = arith.constant 3 : i32
        %shift_left3A_104 = vector.broadcast %shift_left3A_103 : i32 to vector<16xi32>
        %shift_left3A_105 = arith.shli %and3A_102, %shift_left3A_104 : vector<16xi32>
        %shift_right_arithmetic3A_106 = arith.shrsi %gather3A_99, %shift_left3A_105 : vector<16xi32>
        %add3A_107 = arith.constant 6400 : i32
        %add3A_108 = arith.addi %add3A_107, %mul3A_47 : i32
        %get3A_109 = arith.index_cast %add3A_108 : i32 to index
        %get3A_110 = tpu.vector_load %arg7[%get3A_109] {strides = array<i32>} : memref<12800xi32, #tpu.memory_space<vmem>>, vector<16xi32>,
        %shift_right_arithmetic3A_111 = arith.constant 2 : i32
        %shift_right_arithmetic3A_112 = vector.broadcast %shift_right_arithmetic3A_111 : i32 to vector<16xi32>
        %shift_right_arithmetic3A_113 = arith.shrsi %get3A_110, %shift_right_arithmetic3A_112 : vector<16xi32>
        %gather3A_114 = tpu.vector_load_idx %arg6[%shift_right_arithmetic3A_113] : memref<12800xi32, #tpu.memory_space<vmem>>[vector<16xi32>], vector<16xi32>,
        %and3A_115 = arith.constant 3 : i32
        %and3A_116 = vector.broadcast %and3A_115 : i32 to vector<16xi32>
        %and3A_117 = arith.andi %get3A_110, %and3A_116 : vector<16xi32>
        %shift_left3A_118 = arith.constant 3 : i32
        %shift_left3A_119 = vector.broadcast %shift_left3A_118 : i32 to vector<16xi32>
        %shift_left3A_120 = arith.shli %and3A_117, %shift_left3A_119 : vector<16xi32>
        %shift_right_arithmetic3A_121 = arith.shrsi %gather3A_114, %shift_left3A_120 : vector<16xi32>
        %add3A_122 = arith.constant 8000 : i32
        %add3A_123 = arith.addi %add3A_122, %mul3A_47 : i32
        %get3A_124 = arith.index_cast %add3A_123 : i32 to index
        %get3A_125 = tpu.vector_load %arg7[%get3A_124] {strides = array<i32>} : memref<12800xi32, #tpu.memory_space<vmem>>, vector<16xi32>,
        %shift_right_arithmetic3A_126 = arith.constant 2 : i32
        %shift_right_arithmetic3A_127 = vector.broadcast %shift_right_arithmetic3A_126 : i32 to vector<16xi32>
        %shift_right_arithmetic3A_128 = arith.shrsi %get3A_125, %shift_right_arithmetic3A_127 : vector<16xi32>
        %gather3A_129 = tpu.vector_load_idx %arg6[%shift_right_arithmetic3A_128] : memref<12800xi32, #tpu.memory_space<vmem>>[vector<16xi32>], vector<16xi32>,
        %and3A_130 = arith.constant 3 : i32
        %and3A_131 = vector.broadcast %and3A_130 : i32 to vector<16xi32>
        %and3A_132 = arith.andi %get3A_125, %and3A_131 : vector<16xi32>
        %shift_left3A_133 = arith.constant 3 : i32
        %shift_left3A_134 = vector.broadcast %shift_left3A_133 : i32 to vector<16xi32>
        %shift_left3A_135 = arith.shli %and3A_132, %shift_left3A_134 : vector<16xi32>
        %shift_right_arithmetic3A_136 = arith.shrsi %gather3A_129, %shift_left3A_135 : vector<16xi32>
        %add3A_137 = arith.constant 9600 : i32
        %add3A_138 = arith.addi %add3A_137, %mul3A_47 : i32
        %get3A_139 = arith.index_cast %add3A_138 : i32 to index
        %get3A_140 = tpu.vector_load %arg7[%get3A_139] {strides = array<i32>} : memref<12800xi32, #tpu.memory_space<vmem>>, vector<16xi32>,
        %shift_right_arithmetic3A_141 = arith.constant 2 : i32
        %shift_right_arithmetic3A_142 = vector.broadcast %shift_right_arithmetic3A_141 : i32 to vector<16xi32>
        %shift_right_arithmetic3A_143 = arith.shrsi %get3A_140, %shift_right_arithmetic3A_142 : vector<16xi32>
        %gather3A_144 = tpu.vector_load_idx %arg6[%shift_right_arithmetic3A_143] : memref<12800xi32, #tpu.memory_space<vmem>>[vector<16xi32>], vector<16xi32>,
        %and3A_145 = arith.constant 3 : i32
        %and3A_146 = vector.broadcast %and3A_145 : i32 to vector<16xi32>
        %and3A_147 = arith.andi %get3A_140, %and3A_146 : vector<16xi32>
        %shift_left3A_148 = arith.constant 3 : i32
        %shift_left3A_149 = vector.broadcast %shift_left3A_148 : i32 to vector<16xi32>
        %shift_left3A_150 = arith.shli %and3A_147, %shift_left3A_149 : vector<16xi32>
        %shift_right_arithmetic3A_151 = arith.shrsi %gather3A_144, %shift_left3A_150 : vector<16xi32>
        %add3A_152 = arith.constant 11200 : i32
        %add3A_153 = arith.addi %add3A_152, %mul3A_47 : i32
        %get3A_154 = arith.index_cast %add3A_153 : i32 to index
        %get3A_155 = tpu.vector_load %arg7[%get3A_154] {strides = array<i32>} : memref<12800xi32, #tpu.memory_space<vmem>>, vector<16xi32>,
        %shift_right_arithmetic3A_156 = arith.constant 2 : i32
        %shift_right_arithmetic3A_157 = vector.broadcast %shift_right_arithmetic3A_156 : i32 to vector<16xi32>
        %shift_right_arithmetic3A_158 = arith.shrsi %get3A_155, %shift_right_arithmetic3A_157 : vector<16xi32>
        %gather3A_159 = tpu.vector_load_idx %arg6[%shift_right_arithmetic3A_158] : memref<12800xi32, #tpu.memory_space<vmem>>[vector<16xi32>], vector<16xi32>,
        %and3A_160 = arith.constant 3 : i32
        %and3A_161 = vector.broadcast %and3A_160 : i32 to vector<16xi32>
        %and3A_162 = arith.andi %get3A_155, %and3A_161 : vector<16xi32>
        %shift_left3A_163 = arith.constant 3 : i32
        %shift_left3A_164 = vector.broadcast %shift_left3A_163 : i32 to vector<16xi32>
        %shift_left3A_165 = arith.shli %and3A_162, %shift_left3A_164 : vector<16xi32>
        %shift_right_arithmetic3A_166 = arith.shrsi %gather3A_159, %shift_left3A_165 : vector<16xi32>
        %shift_left3A_167 = arith.constant 7 : i32
        %shift_left3A_168 = vector.broadcast %shift_left3A_167 : i32 to vector<16xi32>
        %shift_left3A_169 = arith.shli %shift_right_arithmetic3A_61, %shift_left3A_168 : vector<16xi32>
        %and3A_170 = arith.constant 128 : i32
        %and3A_171 = vector.broadcast %and3A_170 : i32 to vector<16xi32>
        %and3A_172 = arith.andi %shift_left3A_169, %and3A_171 : vector<16xi32>
        %shift_left3A_173 = arith.constant 6 : i32
        %shift_left3A_174 = vector.broadcast %shift_left3A_173 : i32 to vector<16xi32>
        %shift_left3A_175 = arith.shli %shift_right_arithmetic3A_76, %shift_left3A_174 : vector<16xi32>
        %and3A_176 = arith.constant 64 : i32
        %and3A_177 = vector.broadcast %and3A_176 : i32 to vector<16xi32>
        %and3A_178 = arith.andi %shift_left3A_175, %and3A_177 : vector<16xi32>
        %or3A = arith.ori %and3A_172, %and3A_178 : vector<16xi32>
        %shift_left3A_179 = arith.constant 5 : i32
        %shift_left3A_180 = vector.broadcast %shift_left3A_179 : i32 to vector<16xi32>
        %shift_left3A_181 = arith.shli %shift_right_arithmetic3A_91, %shift_left3A_180 : vector<16xi32>
        %and3A_182 = arith.constant 32 : i32
        %and3A_183 = vector.broadcast %and3A_182 : i32 to vector<16xi32>
        %and3A_184 = arith.andi %shift_left3A_181, %and3A_183 : vector<16xi32>
        %or3A_185 = arith.ori %or3A, %and3A_184 : vector<16xi32>
        %shift_left3A_186 = arith.constant 4 : i32
        %shift_left3A_187 = vector.broadcast %shift_left3A_186 : i32 to vector<16xi32>
        %shift_left3A_188 = arith.shli %shift_right_arithmetic3A_106, %shift_left3A_187 : vector<16xi32>
        %and3A_189 = arith.constant 16 : i32
        %and3A_190 = vector.broadcast %and3A_189 : i32 to vector<16xi32>
        %and3A_191 = arith.andi %shift_left3A_188, %and3A_190 : vector<16xi32>
        %or3A_192 = arith.ori %or3A_185, %and3A_191 : vector<16xi32>
        %shift_left3A_193 = arith.constant 3 : i32
        %shift_left3A_194 = vector.broadcast %shift_left3A_193 : i32 to vector<16xi32>
        %shift_left3A_195 = arith.shli %shift_right_arithmetic3A_121, %shift_left3A_194 : vector<16xi32>
        %and3A_196 = arith.constant 8 : i32
        %and3A_197 = vector.broadcast %and3A_196 : i32 to vector<16xi32>
        %and3A_198 = arith.andi %shift_left3A_195, %and3A_197 : vector<16xi32>
        %or3A_199 = arith.ori %or3A_192, %and3A_198 : vector<16xi32>
        %shift_left3A_200 = arith.constant 2 : i32
        %shift_left3A_201 = vector.broadcast %shift_left3A_200 : i32 to vector<16xi32>
        %shift_left3A_202 = arith.shli %shift_right_arithmetic3A_136, %shift_left3A_201 : vector<16xi32>
        %and3A_203 = arith.constant 4 : i32
        %and3A_204 = vector.broadcast %and3A_203 : i32 to vector<16xi32>
        %and3A_205 = arith.andi %shift_left3A_202, %and3A_204 : vector<16xi32>
        %or3A_206 = arith.ori %or3A_199, %and3A_205 : vector<16xi32>
        %shift_left3A_207 = arith.constant 1 : i32
        %shift_left3A_208 = vector.broadcast %shift_left3A_207 : i32 to vector<16xi32>
        %shift_left3A_209 = arith.shli %shift_right_arithmetic3A_151, %shift_left3A_208 : vector<16xi32>
        %and3A_210 = arith.constant 2 : i32
        %and3A_211 = vector.broadcast %and3A_210 : i32 to vector<16xi32>
        %and3A_212 = arith.andi %shift_left3A_209, %and3A_211 : vector<16xi32>
        %or3A_213 = arith.ori %or3A_206, %and3A_212 : vector<16xi32>
        %shift_right_arithmetic3A_214 = arith.constant 0 : i32
        %shift_right_arithmetic3A_215 = vector.broadcast %shift_right_arithmetic3A_214 : i32 to vector<16xi32>
        %shift_right_arithmetic3A_216 = arith.shrsi %shift_right_arithmetic3A_166, %shift_right_arithmetic3A_215 : vector<16xi32>
        %and3A_217 = arith.constant 1 : i32
        %and3A_218 = vector.broadcast %and3A_217 : i32 to vector<16xi32>
        %and3A_219 = arith.andi %shift_right_arithmetic3A_216, %and3A_218 : vector<16xi32>
        %or3A_220 = arith.ori %or3A_213, %and3A_219 : vector<16xi32>
        %shift_right_arithmetic3A_221 = arith.constant 5 : i32
        %shift_right_arithmetic3A_222 = vector.broadcast %shift_right_arithmetic3A_221 : i32 to vector<16xi32>
        %shift_right_arithmetic3A_223 = arith.shrsi %or3A_220, %shift_right_arithmetic3A_222 : vector<16xi32>
        %add3A_224 = arith.addi %add3A_51, %shift_right_arithmetic3A_223 : vector<16xi32>
        %gather3A_225 = tpu.vector_load_idx %arg8[%add3A_224] : memref<12800xi32, #tpu.memory_space<vmem>>[vector<16xi32>], vector<16xi32>,
        %and3A_226 = arith.constant 31 : i32
        %and3A_227 = vector.broadcast %and3A_226 : i32 to vector<16xi32>
        %and3A_228 = arith.andi %or3A_220, %and3A_227 : vector<16xi32>
        %shift_right_arithmetic3A_229 = arith.shrsi %gather3A_225, %and3A_228 : vector<16xi32>
        %and3A_230 = arith.constant 1 : i32
        %and3A_231 = vector.broadcast %and3A_230 : i32 to vector<16xi32>
        %and3A_232 = arith.andi %shift_right_arithmetic3A_229, %and3A_231 : vector<16xi32>
        %shift_left3A_233 = arith.constant 0 : i32
        %shift_left3A_234 = vector.broadcast %shift_left3A_233 : i32 to vector<16xi32>
        %shift_left3A_235 = arith.shli %and3A_232, %shift_left3A_234 : vector<16xi32>
        %shift_left3A_236 = arith.constant 6 : i32
        %shift_left3A_237 = vector.broadcast %shift_left3A_236 : i32 to vector<16xi32>
        %shift_left3A_238 = arith.shli %shift_right_arithmetic3A_61, %shift_left3A_237 : vector<16xi32>
        %and3A_239 = arith.constant 128 : i32
        %and3A_240 = vector.broadcast %and3A_239 : i32 to vector<16xi32>
        %and3A_241 = arith.andi %shift_left3A_238, %and3A_240 : vector<16xi32>
        %shift_left3A_242 = arith.constant 5 : i32
        %shift_left3A_243 = vector.broadcast %shift_left3A_242 : i32 to vector<16xi32>
        %shift_left3A_244 = arith.shli %shift_right_arithmetic3A_76, %shift_left3A_243 : vector<16xi32>
        %and3A_245 = arith.constant 64 : i32
        %and3A_246 = vector.broadcast %and3A_245 : i32 to vector<16xi32>
        %and3A_247 = arith.andi %shift_left3A_244, %and3A_246 : vector<16xi32>
        %or3A_248 = arith.ori %and3A_241, %and3A_247 : vector<16xi32>
        %shift_left3A_249 = arith.constant 4 : i32
        %shift_left3A_250 = vector.broadcast %shift_left3A_249 : i32 to vector<16xi32>
        %shift_left3A_251 = arith.shli %shift_right_arithmetic3A_91, %shift_left3A_250 : vector<16xi32>
        %and3A_252 = arith.constant 32 : i32
        %and3A_253 = vector.broadcast %and3A_252 : i32 to vector<16xi32>
        %and3A_254 = arith.andi %shift_left3A_251, %and3A_253 : vector<16xi32>
        %or3A_255 = arith.ori %or3A_248, %and3A_254 : vector<16xi32>
        %shift_left3A_256 = arith.constant 3 : i32
        %shift_left3A_257 = vector.broadcast %shift_left3A_256 : i32 to vector<16xi32>
        %shift_left3A_258 = arith.shli %shift_right_arithmetic3A_106, %shift_left3A_257 : vector<16xi32>
        %and3A_259 = arith.constant 16 : i32
        %and3A_260 = vector.broadcast %and3A_259 : i32 to vector<16xi32>
        %and3A_261 = arith.andi %shift_left3A_258, %and3A_260 : vector<16xi32>
        %or3A_262 = arith.ori %or3A_255, %and3A_261 : vector<16xi32>
        %shift_left3A_263 = arith.constant 2 : i32
        %shift_left3A_264 = vector.broadcast %shift_left3A_263 : i32 to vector<16xi32>
        %shift_left3A_265 = arith.shli %shift_right_arithmetic3A_121, %shift_left3A_264 : vector<16xi32>
        %and3A_266 = arith.constant 8 : i32
        %and3A_267 = vector.broadcast %and3A_266 : i32 to vector<16xi32>
        %and3A_268 = arith.andi %shift_left3A_265, %and3A_267 : vector<16xi32>
        %or3A_269 = arith.ori %or3A_262, %and3A_268 : vector<16xi32>
        %shift_left3A_270 = arith.constant 1 : i32
        %shift_left3A_271 = vector.broadcast %shift_left3A_270 : i32 to vector<16xi32>
        %shift_left3A_272 = arith.shli %shift_right_arithmetic3A_136, %shift_left3A_271 : vector<16xi32>
        %and3A_273 = arith.constant 4 : i32
        %and3A_274 = vector.broadcast %and3A_273 : i32 to vector<16xi32>
        %and3A_275 = arith.andi %shift_left3A_272, %and3A_274 : vector<16xi32>
        %or3A_276 = arith.ori %or3A_269, %and3A_275 : vector<16xi32>
        %shift_right_arithmetic3A_277 = arith.constant 0 : i32
        %shift_right_arithmetic3A_278 = vector.broadcast %shift_right_arithmetic3A_277 : i32 to vector<16xi32>
        %shift_right_arithmetic3A_279 = arith.shrsi %shift_right_arithmetic3A_151, %shift_right_arithmetic3A_278 : vector<16xi32>
        %and3A_280 = arith.constant 2 : i32
        %and3A_281 = vector.broadcast %and3A_280 : i32 to vector<16xi32>
        %and3A_282 = arith.andi %shift_right_arithmetic3A_279, %and3A_281 : vector<16xi32>
        %or3A_283 = arith.ori %or3A_276, %and3A_282 : vector<16xi32>
        %shift_right_arithmetic3A_284 = arith.constant 1 : i32
        %shift_right_arithmetic3A_285 = vector.broadcast %shift_right_arithmetic3A_284 : i32 to vector<16xi32>
        %shift_right_arithmetic3A_286 = arith.shrsi %shift_right_arithmetic3A_166, %shift_right_arithmetic3A_285 : vector<16xi32>
        %and3A_287 = arith.constant 1 : i32
        %and3A_288 = vector.broadcast %and3A_287 : i32 to vector<16xi32>
        %and3A_289 = arith.andi %shift_right_arithmetic3A_286, %and3A_288 : vector<16xi32>
        %or3A_290 = arith.ori %or3A_283, %and3A_289 : vector<16xi32>
        %shift_right_arithmetic3A_291 = arith.constant 5 : i32
        %shift_right_arithmetic3A_292 = vector.broadcast %shift_right_arithmetic3A_291 : i32 to vector<16xi32>
        %shift_right_arithmetic3A_293 = arith.shrsi %or3A_290, %shift_right_arithmetic3A_292 : vector<16xi32>
        %add3A_294 = arith.addi %add3A_51, %shift_right_arithmetic3A_293 : vector<16xi32>
        %gather3A_295 = tpu.vector_load_idx %arg8[%add3A_294] : memref<12800xi32, #tpu.memory_space<vmem>>[vector<16xi32>], vector<16xi32>,
        %and3A_296 = arith.constant 31 : i32
        %and3A_297 = vector.broadcast %and3A_296 : i32 to vector<16xi32>
        %and3A_298 = arith.andi %or3A_290, %and3A_297 : vector<16xi32>
        %shift_right_arithmetic3A_299 = arith.shrsi %gather3A_295, %and3A_298 : vector<16xi32>
        %and3A_300 = arith.constant 1 : i32
        %and3A_301 = vector.broadcast %and3A_300 : i32 to vector<16xi32>
        %and3A_302 = arith.andi %shift_right_arithmetic3A_299, %and3A_301 : vector<16xi32>
        %shift_left3A_303 = arith.constant 1 : i32
        %shift_left3A_304 = vector.broadcast %shift_left3A_303 : i32 to vector<16xi32>
        %shift_left3A_305 = arith.shli %and3A_302, %shift_left3A_304 : vector<16xi32>
        %or3A_306 = arith.ori %shift_left3A_235, %shift_left3A_305 : vector<16xi32>
        %shift_left3A_307 = arith.constant 5 : i32
        %shift_left3A_308 = vector.broadcast %shift_left3A_307 : i32 to vector<16xi32>
        %shift_left3A_309 = arith.shli %shift_right_arithmetic3A_61, %shift_left3A_308 : vector<16xi32>
        %and3A_310 = arith.constant 128 : i32
        %and3A_311 = vector.broadcast %and3A_310 : i32 to vector<16xi32>
        %and3A_312 = arith.andi %shift_left3A_309, %and3A_311 : vector<16xi32>
        %shift_left3A_313 = arith.constant 4 : i32
        %shift_left3A_314 = vector.broadcast %shift_left3A_313 : i32 to vector<16xi32>
        %shift_left3A_315 = arith.shli %shift_right_arithmetic3A_76, %shift_left3A_314 : vector<16xi32>
        %and3A_316 = arith.constant 64 : i32
        %and3A_317 = vector.broadcast %and3A_316 : i32 to vector<16xi32>
        %and3A_318 = arith.andi %shift_left3A_315, %and3A_317 : vector<16xi32>
        %or3A_319 = arith.ori %and3A_312, %and3A_318 : vector<16xi32>
        %shift_left3A_320 = arith.constant 3 : i32
        %shift_left3A_321 = vector.broadcast %shift_left3A_320 : i32 to vector<16xi32>
        %shift_left3A_322 = arith.shli %shift_right_arithmetic3A_91, %shift_left3A_321 : vector<16xi32>
        %and3A_323 = arith.constant 32 : i32
        %and3A_324 = vector.broadcast %and3A_323 : i32 to vector<16xi32>
        %and3A_325 = arith.andi %shift_left3A_322, %and3A_324 : vector<16xi32>
        %or3A_326 = arith.ori %or3A_319, %and3A_325 : vector<16xi32>
        %shift_left3A_327 = arith.constant 2 : i32
        %shift_left3A_328 = vector.broadcast %shift_left3A_327 : i32 to vector<16xi32>
        %shift_left3A_329 = arith.shli %shift_right_arithmetic3A_106, %shift_left3A_328 : vector<16xi32>
        %and3A_330 = arith.constant 16 : i32
        %and3A_331 = vector.broadcast %and3A_330 : i32 to vector<16xi32>
        %and3A_332 = arith.andi %shift_left3A_329, %and3A_331 : vector<16xi32>
        %or3A_333 = arith.ori %or3A_326, %and3A_332 : vector<16xi32>
        %shift_left3A_334 = arith.constant 1 : i32
        %shift_left3A_335 = vector.broadcast %shift_left3A_334 : i32 to vector<16xi32>
        %shift_left3A_336 = arith.shli %shift_right_arithmetic3A_121, %shift_left3A_335 : vector<16xi32>
        %and3A_337 = arith.constant 8 : i32
        %and3A_338 = vector.broadcast %and3A_337 : i32 to vector<16xi32>
        %and3A_339 = arith.andi %shift_left3A_336, %and3A_338 : vector<16xi32>
        %or3A_340 = arith.ori %or3A_333, %and3A_339 : vector<16xi32>
        %shift_right_arithmetic3A_341 = arith.constant 0 : i32
        %shift_right_arithmetic3A_342 = vector.broadcast %shift_right_arithmetic3A_341 : i32 to vector<16xi32>
        %shift_right_arithmetic3A_343 = arith.shrsi %shift_right_arithmetic3A_136, %shift_right_arithmetic3A_342 : vector<16xi32>
        %and3A_344 = arith.constant 4 : i32
        %and3A_345 = vector.broadcast %and3A_344 : i32 to vector<16xi32>
        %and3A_346 = arith.andi %shift_right_arithmetic3A_343, %and3A_345 : vector<16xi32>
        %or3A_347 = arith.ori %or3A_340, %and3A_346 : vector<16xi32>
        %shift_right_arithmetic3A_348 = arith.constant 1 : i32
        %shift_right_arithmetic3A_349 = vector.broadcast %shift_right_arithmetic3A_348 : i32 to vector<16xi32>
        %shift_right_arithmetic3A_350 = arith.shrsi %shift_right_arithmetic3A_151, %shift_right_arithmetic3A_349 : vector<16xi32>
        %and3A_351 = arith.constant 2 : i32
        %and3A_352 = vector.broadcast %and3A_351 : i32 to vector<16xi32>
        %and3A_353 = arith.andi %shift_right_arithmetic3A_350, %and3A_352 : vector<16xi32>
        %or3A_354 = arith.ori %or3A_347, %and3A_353 : vector<16xi32>
        %shift_right_arithmetic3A_355 = arith.constant 2 : i32
        %shift_right_arithmetic3A_356 = vector.broadcast %shift_right_arithmetic3A_355 : i32 to vector<16xi32>
        %shift_right_arithmetic3A_357 = arith.shrsi %shift_right_arithmetic3A_166, %shift_right_arithmetic3A_356 : vector<16xi32>
        %and3A_358 = arith.constant 1 : i32
        %and3A_359 = vector.broadcast %and3A_358 : i32 to vector<16xi32>
        %and3A_360 = arith.andi %shift_right_arithmetic3A_357, %and3A_359 : vector<16xi32>
        %or3A_361 = arith.ori %or3A_354, %and3A_360 : vector<16xi32>
        %shift_right_arithmetic3A_362 = arith.constant 5 : i32
        %shift_right_arithmetic3A_363 = vector.broadcast %shift_right_arithmetic3A_362 : i32 to vector<16xi32>
        %shift_right_arithmetic3A_364 = arith.shrsi %or3A_361, %shift_right_arithmetic3A_363 : vector<16xi32>
        %add3A_365 = arith.addi %add3A_51, %shift_right_arithmetic3A_364 : vector<16xi32>
        %gather3A_366 = tpu.vector_load_idx %arg8[%add3A_365] : memref<12800xi32, #tpu.memory_space<vmem>>[vector<16xi32>], vector<16xi32>,
        %and3A_367 = arith.constant 31 : i32
        %and3A_368 = vector.broadcast %and3A_367 : i32 to vector<16xi32>
        %and3A_369 = arith.andi %or3A_361, %and3A_368 : vector<16xi32>
        %shift_right_arithmetic3A_370 = arith.shrsi %gather3A_366, %and3A_369 : vector<16xi32>
        %and3A_371 = arith.constant 1 : i32
        %and3A_372 = vector.broadcast %and3A_371 : i32 to vector<16xi32>
        %and3A_373 = arith.andi %shift_right_arithmetic3A_370, %and3A_372 : vector<16xi32>
        %shift_left3A_374 = arith.constant 2 : i32
        %shift_left3A_375 = vector.broadcast %shift_left3A_374 : i32 to vector<16xi32>
        %shift_left3A_376 = arith.shli %and3A_373, %shift_left3A_375 : vector<16xi32>
        %or3A_377 = arith.ori %or3A_306, %shift_left3A_376 : vector<16xi32>
        %shift_left3A_378 = arith.constant 4 : i32
        %shift_left3A_379 = vector.broadcast %shift_left3A_378 : i32 to vector<16xi32>
        %shift_left3A_380 = arith.shli %shift_right_arithmetic3A_61, %shift_left3A_379 : vector<16xi32>
        %and3A_381 = arith.constant 128 : i32
        %and3A_382 = vector.broadcast %and3A_381 : i32 to vector<16xi32>
        %and3A_383 = arith.andi %shift_left3A_380, %and3A_382 : vector<16xi32>
        %shift_left3A_384 = arith.constant 3 : i32
        %shift_left3A_385 = vector.broadcast %shift_left3A_384 : i32 to vector<16xi32>
        %shift_left3A_386 = arith.shli %shift_right_arithmetic3A_76, %shift_left3A_385 : vector<16xi32>
        %and3A_387 = arith.constant 64 : i32
        %and3A_388 = vector.broadcast %and3A_387 : i32 to vector<16xi32>
        %and3A_389 = arith.andi %shift_left3A_386, %and3A_388 : vector<16xi32>
        %or3A_390 = arith.ori %and3A_383, %and3A_389 : vector<16xi32>
        %shift_left3A_391 = arith.constant 2 : i32
        %shift_left3A_392 = vector.broadcast %shift_left3A_391 : i32 to vector<16xi32>
        %shift_left3A_393 = arith.shli %shift_right_arithmetic3A_91, %shift_left3A_392 : vector<16xi32>
        %and3A_394 = arith.constant 32 : i32
        %and3A_395 = vector.broadcast %and3A_394 : i32 to vector<16xi32>
        %and3A_396 = arith.andi %shift_left3A_393, %and3A_395 : vector<16xi32>
        %or3A_397 = arith.ori %or3A_390, %and3A_396 : vector<16xi32>
        %shift_left3A_398 = arith.constant 1 : i32
        %shift_left3A_399 = vector.broadcast %shift_left3A_398 : i32 to vector<16xi32>
        %shift_left3A_400 = arith.shli %shift_right_arithmetic3A_106, %shift_left3A_399 : vector<16xi32>
        %and3A_401 = arith.constant 16 : i32
        %and3A_402 = vector.broadcast %and3A_401 : i32 to vector<16xi32>
        %and3A_403 = arith.andi %shift_left3A_400, %and3A_402 : vector<16xi32>
        %or3A_404 = arith.ori %or3A_397, %and3A_403 : vector<16xi32>
        %shift_right_arithmetic3A_405 = arith.constant 0 : i32
        %shift_right_arithmetic3A_406 = vector.broadcast %shift_right_arithmetic3A_405 : i32 to vector<16xi32>
        %shift_right_arithmetic3A_407 = arith.shrsi %shift_right_arithmetic3A_121, %shift_right_arithmetic3A_406 : vector<16xi32>
        %and3A_408 = arith.constant 8 : i32
        %and3A_409 = vector.broadcast %and3A_408 : i32 to vector<16xi32>
        %and3A_410 = arith.andi %shift_right_arithmetic3A_407, %and3A_409 : vector<16xi32>
        %or3A_411 = arith.ori %or3A_404, %and3A_410 : vector<16xi32>
        %shift_right_arithmetic3A_412 = arith.constant 1 : i32
        %shift_right_arithmetic3A_413 = vector.broadcast %shift_right_arithmetic3A_412 : i32 to vector<16xi32>
        %shift_right_arithmetic3A_414 = arith.shrsi %shift_right_arithmetic3A_136, %shift_right_arithmetic3A_413 : vector<16xi32>
        %and3A_415 = arith.constant 4 : i32
        %and3A_416 = vector.broadcast %and3A_415 : i32 to vector<16xi32>
        %and3A_417 = arith.andi %shift_right_arithmetic3A_414, %and3A_416 : vector<16xi32>
        %or3A_418 = arith.ori %or3A_411, %and3A_417 : vector<16xi32>
        %shift_right_arithmetic3A_419 = arith.constant 2 : i32
        %shift_right_arithmetic3A_420 = vector.broadcast %shift_right_arithmetic3A_419 : i32 to vector<16xi32>
        %shift_right_arithmetic3A_421 = arith.shrsi %shift_right_arithmetic3A_151, %shift_right_arithmetic3A_420 : vector<16xi32>
        %and3A_422 = arith.constant 2 : i32
        %and3A_423 = vector.broadcast %and3A_422 : i32 to vector<16xi32>
        %and3A_424 = arith.andi %shift_right_arithmetic3A_421, %and3A_423 : vector<16xi32>
        %or3A_425 = arith.ori %or3A_418, %and3A_424 : vector<16xi32>
        %shift_right_arithmetic3A_426 = arith.constant 3 : i32
        %shift_right_arithmetic3A_427 = vector.broadcast %shift_right_arithmetic3A_426 : i32 to vector<16xi32>
        %shift_right_arithmetic3A_428 = arith.shrsi %shift_right_arithmetic3A_166, %shift_right_arithmetic3A_427 : vector<16xi32>
        %and3A_429 = arith.constant 1 : i32
        %and3A_430 = vector.broadcast %and3A_429 : i32 to vector<16xi32>
        %and3A_431 = arith.andi %shift_right_arithmetic3A_428, %and3A_430 : vector<16xi32>
        %or3A_432 = arith.ori %or3A_425, %and3A_431 : vector<16xi32>
        %shift_right_arithmetic3A_433 = arith.constant 5 : i32
        %shift_right_arithmetic3A_434 = vector.broadcast %shift_right_arithmetic3A_433 : i32 to vector<16xi32>
        %shift_right_arithmetic3A_435 = arith.shrsi %or3A_432, %shift_right_arithmetic3A_434 : vector<16xi32>
        %add3A_436 = arith.addi %add3A_51, %shift_right_arithmetic3A_435 : vector<16xi32>
        %gather3A_437 = tpu.vector_load_idx %arg8[%add3A_436] : memref<12800xi32, #tpu.memory_space<vmem>>[vector<16xi32>], vector<16xi32>,
        %and3A_438 = arith.constant 31 : i32
        %and3A_439 = vector.broadcast %and3A_438 : i32 to vector<16xi32>
        %and3A_440 = arith.andi %or3A_432, %and3A_439 : vector<16xi32>
        %shift_right_arithmetic3A_441 = arith.shrsi %gather3A_437, %and3A_440 : vector<16xi32>
        %and3A_442 = arith.constant 1 : i32
        %and3A_443 = vector.broadcast %and3A_442 : i32 to vector<16xi32>
        %and3A_444 = arith.andi %shift_right_arithmetic3A_441, %and3A_443 : vector<16xi32>
        %shift_left3A_445 = arith.constant 3 : i32
        %shift_left3A_446 = vector.broadcast %shift_left3A_445 : i32 to vector<16xi32>
        %shift_left3A_447 = arith.shli %and3A_444, %shift_left3A_446 : vector<16xi32>
        %or3A_448 = arith.ori %or3A_377, %shift_left3A_447 : vector<16xi32>
        %shift_left3A_449 = arith.constant 3 : i32
        %shift_left3A_450 = vector.broadcast %shift_left3A_449 : i32 to vector<16xi32>
        %shift_left3A_451 = arith.shli %shift_right_arithmetic3A_61, %shift_left3A_450 : vector<16xi32>
        %and3A_452 = arith.constant 128 : i32
        %and3A_453 = vector.broadcast %and3A_452 : i32 to vector<16xi32>
        %and3A_454 = arith.andi %shift_left3A_451, %and3A_453 : vector<16xi32>
        %shift_left3A_455 = arith.constant 2 : i32
        %shift_left3A_456 = vector.broadcast %shift_left3A_455 : i32 to vector<16xi32>
        %shift_left3A_457 = arith.shli %shift_right_arithmetic3A_76, %shift_left3A_456 : vector<16xi32>
        %and3A_458 = arith.constant 64 : i32
        %and3A_459 = vector.broadcast %and3A_458 : i32 to vector<16xi32>
        %and3A_460 = arith.andi %shift_left3A_457, %and3A_459 : vector<16xi32>
        %or3A_461 = arith.ori %and3A_454, %and3A_460 : vector<16xi32>
        %shift_left3A_462 = arith.constant 1 : i32
        %shift_left3A_463 = vector.broadcast %shift_left3A_462 : i32 to vector<16xi32>
        %shift_left3A_464 = arith.shli %shift_right_arithmetic3A_91, %shift_left3A_463 : vector<16xi32>
        %and3A_465 = arith.constant 32 : i32
        %and3A_466 = vector.broadcast %and3A_465 : i32 to vector<16xi32>
        %and3A_467 = arith.andi %shift_left3A_464, %and3A_466 : vector<16xi32>
        %or3A_468 = arith.ori %or3A_461, %and3A_467 : vector<16xi32>
        %shift_right_arithmetic3A_469 = arith.constant 0 : i32
        %shift_right_arithmetic3A_470 = vector.broadcast %shift_right_arithmetic3A_469 : i32 to vector<16xi32>
        %shift_right_arithmetic3A_471 = arith.shrsi %shift_right_arithmetic3A_106, %shift_right_arithmetic3A_470 : vector<16xi32>
        %and3A_472 = arith.constant 16 : i32
        %and3A_473 = vector.broadcast %and3A_472 : i32 to vector<16xi32>
        %and3A_474 = arith.andi %shift_right_arithmetic3A_471, %and3A_473 : vector<16xi32>
        %or3A_475 = arith.ori %or3A_468, %and3A_474 : vector<16xi32>
        %shift_right_arithmetic3A_476 = arith.constant 1 : i32
        %shift_right_arithmetic3A_477 = vector.broadcast %shift_right_arithmetic3A_476 : i32 to vector<16xi32>
        %shift_right_arithmetic3A_478 = arith.shrsi %shift_right_arithmetic3A_121, %shift_right_arithmetic3A_477 : vector<16xi32>
        %and3A_479 = arith.constant 8 : i32
        %and3A_480 = vector.broadcast %and3A_479 : i32 to vector<16xi32>
        %and3A_481 = arith.andi %shift_right_arithmetic3A_478, %and3A_480 : vector<16xi32>
        %or3A_482 = arith.ori %or3A_475, %and3A_481 : vector<16xi32>
        %shift_right_arithmetic3A_483 = arith.constant 2 : i32
        %shift_right_arithmetic3A_484 = vector.broadcast %shift_right_arithmetic3A_483 : i32 to vector<16xi32>
        %shift_right_arithmetic3A_485 = arith.shrsi %shift_right_arithmetic3A_136, %shift_right_arithmetic3A_484 : vector<16xi32>
        %and3A_486 = arith.constant 4 : i32
        %and3A_487 = vector.broadcast %and3A_486 : i32 to vector<16xi32>
        %and3A_488 = arith.andi %shift_right_arithmetic3A_485, %and3A_487 : vector<16xi32>
        %or3A_489 = arith.ori %or3A_482, %and3A_488 : vector<16xi32>
        %shift_right_arithmetic3A_490 = arith.constant 3 : i32
        %shift_right_arithmetic3A_491 = vector.broadcast %shift_right_arithmetic3A_490 : i32 to vector<16xi32>
        %shift_right_arithmetic3A_492 = arith.shrsi %shift_right_arithmetic3A_151, %shift_right_arithmetic3A_491 : vector<16xi32>
        %and3A_493 = arith.constant 2 : i32
        %and3A_494 = vector.broadcast %and3A_493 : i32 to vector<16xi32>
        %and3A_495 = arith.andi %shift_right_arithmetic3A_492, %and3A_494 : vector<16xi32>
        %or3A_496 = arith.ori %or3A_489, %and3A_495 : vector<16xi32>
        %shift_right_arithmetic3A_497 = arith.constant 4 : i32
        %shift_right_arithmetic3A_498 = vector.broadcast %shift_right_arithmetic3A_497 : i32 to vector<16xi32>
        %shift_right_arithmetic3A_499 = arith.shrsi %shift_right_arithmetic3A_166, %shift_right_arithmetic3A_498 : vector<16xi32>
        %and3A_500 = arith.constant 1 : i32
        %and3A_501 = vector.broadcast %and3A_500 : i32 to vector<16xi32>
        %and3A_502 = arith.andi %shift_right_arithmetic3A_499, %and3A_501 : vector<16xi32>
        %or3A_503 = arith.ori %or3A_496, %and3A_502 : vector<16xi32>
        %shift_right_arithmetic3A_504 = arith.constant 5 : i32
        %shift_right_arithmetic3A_505 = vector.broadcast %shift_right_arithmetic3A_504 : i32 to vector<16xi32>
        %shift_right_arithmetic3A_506 = arith.shrsi %or3A_503, %shift_right_arithmetic3A_505 : vector<16xi32>
        %add3A_507 = arith.addi %add3A_51, %shift_right_arithmetic3A_506 : vector<16xi32>
        %gather3A_508 = tpu.vector_load_idx %arg8[%add3A_507] : memref<12800xi32, #tpu.memory_space<vmem>>[vector<16xi32>], vector<16xi32>,
        %and3A_509 = arith.constant 31 : i32
        %and3A_510 = vector.broadcast %and3A_509 : i32 to vector<16xi32>
        %and3A_511 = arith.andi %or3A_503, %and3A_510 : vector<16xi32>
        %shift_right_arithmetic3A_512 = arith.shrsi %gather3A_508, %and3A_511 : vector<16xi32>
        %and3A_513 = arith.constant 1 : i32
        %and3A_514 = vector.broadcast %and3A_513 : i32 to vector<16xi32>
        %and3A_515 = arith.andi %shift_right_arithmetic3A_512, %and3A_514 : vector<16xi32>
        %shift_left3A_516 = arith.constant 4 : i32
        %shift_left3A_517 = vector.broadcast %shift_left3A_516 : i32 to vector<16xi32>
        %shift_left3A_518 = arith.shli %and3A_515, %shift_left3A_517 : vector<16xi32>
        %or3A_519 = arith.ori %or3A_448, %shift_left3A_518 : vector<16xi32>
        %shift_left3A_520 = arith.constant 2 : i32
        %shift_left3A_521 = vector.broadcast %shift_left3A_520 : i32 to vector<16xi32>
        %shift_left3A_522 = arith.shli %shift_right_arithmetic3A_61, %shift_left3A_521 : vector<16xi32>
        %and3A_523 = arith.constant 128 : i32
        %and3A_524 = vector.broadcast %and3A_523 : i32 to vector<16xi32>
        %and3A_525 = arith.andi %shift_left3A_522, %and3A_524 : vector<16xi32>
        %shift_left3A_526 = arith.constant 1 : i32
        %shift_left3A_527 = vector.broadcast %shift_left3A_526 : i32 to vector<16xi32>
        %shift_left3A_528 = arith.shli %shift_right_arithmetic3A_76, %shift_left3A_527 : vector<16xi32>
        %and3A_529 = arith.constant 64 : i32
        %and3A_530 = vector.broadcast %and3A_529 : i32 to vector<16xi32>
        %and3A_531 = arith.andi %shift_left3A_528, %and3A_530 : vector<16xi32>
        %or3A_532 = arith.ori %and3A_525, %and3A_531 : vector<16xi32>
        %shift_right_arithmetic3A_533 = arith.constant 0 : i32
        %shift_right_arithmetic3A_534 = vector.broadcast %shift_right_arithmetic3A_533 : i32 to vector<16xi32>
        %shift_right_arithmetic3A_535 = arith.shrsi %shift_right_arithmetic3A_91, %shift_right_arithmetic3A_534 : vector<16xi32>
        %and3A_536 = arith.constant 32 : i32
        %and3A_537 = vector.broadcast %and3A_536 : i32 to vector<16xi32>
        %and3A_538 = arith.andi %shift_right_arithmetic3A_535, %and3A_537 : vector<16xi32>
        %or3A_539 = arith.ori %or3A_532, %and3A_538 : vector<16xi32>
        %shift_right_arithmetic3A_540 = arith.constant 1 : i32
        %shift_right_arithmetic3A_541 = vector.broadcast %shift_right_arithmetic3A_540 : i32 to vector<16xi32>
        %shift_right_arithmetic3A_542 = arith.shrsi %shift_right_arithmetic3A_106, %shift_right_arithmetic3A_541 : vector<16xi32>
        %and3A_543 = arith.constant 16 : i32
        %and3A_544 = vector.broadcast %and3A_543 : i32 to vector<16xi32>
        %and3A_545 = arith.andi %shift_right_arithmetic3A_542, %and3A_544 : vector<16xi32>
        %or3A_546 = arith.ori %or3A_539, %and3A_545 : vector<16xi32>
        %shift_right_arithmetic3A_547 = arith.constant 2 : i32
        %shift_right_arithmetic3A_548 = vector.broadcast %shift_right_arithmetic3A_547 : i32 to vector<16xi32>
        %shift_right_arithmetic3A_549 = arith.shrsi %shift_right_arithmetic3A_121, %shift_right_arithmetic3A_548 : vector<16xi32>
        %and3A_550 = arith.constant 8 : i32
        %and3A_551 = vector.broadcast %and3A_550 : i32 to vector<16xi32>
        %and3A_552 = arith.andi %shift_right_arithmetic3A_549, %and3A_551 : vector<16xi32>
        %or3A_553 = arith.ori %or3A_546, %and3A_552 : vector<16xi32>
        %shift_right_arithmetic3A_554 = arith.constant 3 : i32
        %shift_right_arithmetic3A_555 = vector.broadcast %shift_right_arithmetic3A_554 : i32 to vector<16xi32>
        %shift_right_arithmetic3A_556 = arith.shrsi %shift_right_arithmetic3A_136, %shift_right_arithmetic3A_555 : vector<16xi32>
        %and3A_557 = arith.constant 4 : i32
        %and3A_558 = vector.broadcast %and3A_557 : i32 to vector<16xi32>
        %and3A_559 = arith.andi %shift_right_arithmetic3A_556, %and3A_558 : vector<16xi32>
        %or3A_560 = arith.ori %or3A_553, %and3A_559 : vector<16xi32>
        %shift_right_arithmetic3A_561 = arith.constant 4 : i32
        %shift_right_arithmetic3A_562 = vector.broadcast %shift_right_arithmetic3A_561 : i32 to vector<16xi32>
        %shift_right_arithmetic3A_563 = arith.shrsi %shift_right_arithmetic3A_151, %shift_right_arithmetic3A_562 : vector<16xi32>
        %and3A_564 = arith.constant 2 : i32
        %and3A_565 = vector.broadcast %and3A_564 : i32 to vector<16xi32>
        %and3A_566 = arith.andi %shift_right_arithmetic3A_563, %and3A_565 : vector<16xi32>
        %or3A_567 = arith.ori %or3A_560, %and3A_566 : vector<16xi32>
        %shift_right_arithmetic3A_568 = arith.constant 5 : i32
        %shift_right_arithmetic3A_569 = vector.broadcast %shift_right_arithmetic3A_568 : i32 to vector<16xi32>
        %shift_right_arithmetic3A_570 = arith.shrsi %shift_right_arithmetic3A_166, %shift_right_arithmetic3A_569 : vector<16xi32>
        %and3A_571 = arith.constant 1 : i32
        %and3A_572 = vector.broadcast %and3A_571 : i32 to vector<16xi32>
        %and3A_573 = arith.andi %shift_right_arithmetic3A_570, %and3A_572 : vector<16xi32>
        %or3A_574 = arith.ori %or3A_567, %and3A_573 : vector<16xi32>
        %shift_right_arithmetic3A_575 = arith.constant 5 : i32
        %shift_right_arithmetic3A_576 = vector.broadcast %shift_right_arithmetic3A_575 : i32 to vector<16xi32>
        %shift_right_arithmetic3A_577 = arith.shrsi %or3A_574, %shift_right_arithmetic3A_576 : vector<16xi32>
        %add3A_578 = arith.addi %add3A_51, %shift_right_arithmetic3A_577 : vector<16xi32>
        %gather3A_579 = tpu.vector_load_idx %arg8[%add3A_578] : memref<12800xi32, #tpu.memory_space<vmem>>[vector<16xi32>], vector<16xi32>,
        %and3A_580 = arith.constant 31 : i32
        %and3A_581 = vector.broadcast %and3A_580 : i32 to vector<16xi32>
        %and3A_582 = arith.andi %or3A_574, %and3A_581 : vector<16xi32>
        %shift_right_arithmetic3A_583 = arith.shrsi %gather3A_579, %and3A_582 : vector<16xi32>
        %and3A_584 = arith.constant 1 : i32
        %and3A_585 = vector.broadcast %and3A_584 : i32 to vector<16xi32>
        %and3A_586 = arith.andi %shift_right_arithmetic3A_583, %and3A_585 : vector<16xi32>
        %shift_left3A_587 = arith.constant 5 : i32
        %shift_left3A_588 = vector.broadcast %shift_left3A_587 : i32 to vector<16xi32>
        %shift_left3A_589 = arith.shli %and3A_586, %shift_left3A_588 : vector<16xi32>
        %or3A_590 = arith.ori %or3A_519, %shift_left3A_589 : vector<16xi32>
        %shift_left3A_591 = arith.constant 1 : i32
        %shift_left3A_592 = vector.broadcast %shift_left3A_591 : i32 to vector<16xi32>
        %shift_left3A_593 = arith.shli %shift_right_arithmetic3A_61, %shift_left3A_592 : vector<16xi32>
        %and3A_594 = arith.constant 128 : i32
        %and3A_595 = vector.broadcast %and3A_594 : i32 to vector<16xi32>
        %and3A_596 = arith.andi %shift_left3A_593, %and3A_595 : vector<16xi32>
        %shift_right_arithmetic3A_597 = arith.constant 0 : i32
        %shift_right_arithmetic3A_598 = vector.broadcast %shift_right_arithmetic3A_597 : i32 to vector<16xi32>
        %shift_right_arithmetic3A_599 = arith.shrsi %shift_right_arithmetic3A_76, %shift_right_arithmetic3A_598 : vector<16xi32>
        %and3A_600 = arith.constant 64 : i32
        %and3A_601 = vector.broadcast %and3A_600 : i32 to vector<16xi32>
        %and3A_602 = arith.andi %shift_right_arithmetic3A_599, %and3A_601 : vector<16xi32>
        %or3A_603 = arith.ori %and3A_596, %and3A_602 : vector<16xi32>
        %shift_right_arithmetic3A_604 = arith.constant 1 : i32
        %shift_right_arithmetic3A_605 = vector.broadcast %shift_right_arithmetic3A_604 : i32 to vector<16xi32>
        %shift_right_arithmetic3A_606 = arith.shrsi %shift_right_arithmetic3A_91, %shift_right_arithmetic3A_605 : vector<16xi32>
        %and3A_607 = arith.constant 32 : i32
        %and3A_608 = vector.broadcast %and3A_607 : i32 to vector<16xi32>
        %and3A_609 = arith.andi %shift_right_arithmetic3A_606, %and3A_608 : vector<16xi32>
        %or3A_610 = arith.ori %or3A_603, %and3A_609 : vector<16xi32>
        %shift_right_arithmetic3A_611 = arith.constant 2 : i32
        %shift_right_arithmetic3A_612 = vector.broadcast %shift_right_arithmetic3A_611 : i32 to vector<16xi32>
        %shift_right_arithmetic3A_613 = arith.shrsi %shift_right_arithmetic3A_106, %shift_right_arithmetic3A_612 : vector<16xi32>
        %and3A_614 = arith.constant 16 : i32
        %and3A_615 = vector.broadcast %and3A_614 : i32 to vector<16xi32>
        %and3A_616 = arith.andi %shift_right_arithmetic3A_613, %and3A_615 : vector<16xi32>
        %or3A_617 = arith.ori %or3A_610, %and3A_616 : vector<16xi32>
        %shift_right_arithmetic3A_618 = arith.constant 3 : i32
        %shift_right_arithmetic3A_619 = vector.broadcast %shift_right_arithmetic3A_618 : i32 to vector<16xi32>
        %shift_right_arithmetic3A_620 = arith.shrsi %shift_right_arithmetic3A_121, %shift_right_arithmetic3A_619 : vector<16xi32>
        %and3A_621 = arith.constant 8 : i32
        %and3A_622 = vector.broadcast %and3A_621 : i32 to vector<16xi32>
        %and3A_623 = arith.andi %shift_right_arithmetic3A_620, %and3A_622 : vector<16xi32>
        %or3A_624 = arith.ori %or3A_617, %and3A_623 : vector<16xi32>
        %shift_right_arithmetic3A_625 = arith.constant 4 : i32
        %shift_right_arithmetic3A_626 = vector.broadcast %shift_right_arithmetic3A_625 : i32 to vector<16xi32>
        %shift_right_arithmetic3A_627 = arith.shrsi %shift_right_arithmetic3A_136, %shift_right_arithmetic3A_626 : vector<16xi32>
        %and3A_628 = arith.constant 4 : i32
        %and3A_629 = vector.broadcast %and3A_628 : i32 to vector<16xi32>
        %and3A_630 = arith.andi %shift_right_arithmetic3A_627, %and3A_629 : vector<16xi32>
        %or3A_631 = arith.ori %or3A_624, %and3A_630 : vector<16xi32>
        %shift_right_arithmetic3A_632 = arith.constant 5 : i32
        %shift_right_arithmetic3A_633 = vector.broadcast %shift_right_arithmetic3A_632 : i32 to vector<16xi32>
        %shift_right_arithmetic3A_634 = arith.shrsi %shift_right_arithmetic3A_151, %shift_right_arithmetic3A_633 : vector<16xi32>
        %and3A_635 = arith.constant 2 : i32
        %and3A_636 = vector.broadcast %and3A_635 : i32 to vector<16xi32>
        %and3A_637 = arith.andi %shift_right_arithmetic3A_634, %and3A_636 : vector<16xi32>
        %or3A_638 = arith.ori %or3A_631, %and3A_637 : vector<16xi32>
        %shift_right_arithmetic3A_639 = arith.constant 6 : i32
        %shift_right_arithmetic3A_640 = vector.broadcast %shift_right_arithmetic3A_639 : i32 to vector<16xi32>
        %shift_right_arithmetic3A_641 = arith.shrsi %shift_right_arithmetic3A_166, %shift_right_arithmetic3A_640 : vector<16xi32>
        %and3A_642 = arith.constant 1 : i32
        %and3A_643 = vector.broadcast %and3A_642 : i32 to vector<16xi32>
        %and3A_644 = arith.andi %shift_right_arithmetic3A_641, %and3A_643 : vector<16xi32>
        %or3A_645 = arith.ori %or3A_638, %and3A_644 : vector<16xi32>
        %shift_right_arithmetic3A_646 = arith.constant 5 : i32
        %shift_right_arithmetic3A_647 = vector.broadcast %shift_right_arithmetic3A_646 : i32 to vector<16xi32>
        %shift_right_arithmetic3A_648 = arith.shrsi %or3A_645, %shift_right_arithmetic3A_647 : vector<16xi32>
        %add3A_649 = arith.addi %add3A_51, %shift_right_arithmetic3A_648 : vector<16xi32>
        %gather3A_650 = tpu.vector_load_idx %arg8[%add3A_649] : memref<12800xi32, #tpu.memory_space<vmem>>[vector<16xi32>], vector<16xi32>,
        %and3A_651 = arith.constant 31 : i32
        %and3A_652 = vector.broadcast %and3A_651 : i32 to vector<16xi32>
        %and3A_653 = arith.andi %or3A_645, %and3A_652 : vector<16xi32>
        %shift_right_arithmetic3A_654 = arith.shrsi %gather3A_650, %and3A_653 : vector<16xi32>
        %and3A_655 = arith.constant 1 : i32
        %and3A_656 = vector.broadcast %and3A_655 : i32 to vector<16xi32>
        %and3A_657 = arith.andi %shift_right_arithmetic3A_654, %and3A_656 : vector<16xi32>
        %shift_left3A_658 = arith.constant 6 : i32
        %shift_left3A_659 = vector.broadcast %shift_left3A_658 : i32 to vector<16xi32>
        %shift_left3A_660 = arith.shli %and3A_657, %shift_left3A_659 : vector<16xi32>
        %or3A_661 = arith.ori %or3A_590, %shift_left3A_660 : vector<16xi32>
        %shift_right_arithmetic3A_662 = arith.constant 0 : i32
        %shift_right_arithmetic3A_663 = vector.broadcast %shift_right_arithmetic3A_662 : i32 to vector<16xi32>
        %shift_right_arithmetic3A_664 = arith.shrsi %shift_right_arithmetic3A_61, %shift_right_arithmetic3A_663 : vector<16xi32>
        %and3A_665 = arith.constant 128 : i32
        %and3A_666 = vector.broadcast %and3A_665 : i32 to vector<16xi32>
        %and3A_667 = arith.andi %shift_right_arithmetic3A_664, %and3A_666 : vector<16xi32>
        %shift_right_arithmetic3A_668 = arith.constant 1 : i32
        %shift_right_arithmetic3A_669 = vector.broadcast %shift_right_arithmetic3A_668 : i32 to vector<16xi32>
        %shift_right_arithmetic3A_670 = arith.shrsi %shift_right_arithmetic3A_76, %shift_right_arithmetic3A_669 : vector<16xi32>
        %and3A_671 = arith.constant 64 : i32
        %and3A_672 = vector.broadcast %and3A_671 : i32 to vector<16xi32>
        %and3A_673 = arith.andi %shift_right_arithmetic3A_670, %and3A_672 : vector<16xi32>
        %or3A_674 = arith.ori %and3A_667, %and3A_673 : vector<16xi32>
        %shift_right_arithmetic3A_675 = arith.constant 2 : i32
        %shift_right_arithmetic3A_676 = vector.broadcast %shift_right_arithmetic3A_675 : i32 to vector<16xi32>
        %shift_right_arithmetic3A_677 = arith.shrsi %shift_right_arithmetic3A_91, %shift_right_arithmetic3A_676 : vector<16xi32>
        %and3A_678 = arith.constant 32 : i32
        %and3A_679 = vector.broadcast %and3A_678 : i32 to vector<16xi32>
        %and3A_680 = arith.andi %shift_right_arithmetic3A_677, %and3A_679 : vector<16xi32>
        %or3A_681 = arith.ori %or3A_674, %and3A_680 : vector<16xi32>
        %shift_right_arithmetic3A_682 = arith.constant 3 : i32
        %shift_right_arithmetic3A_683 = vector.broadcast %shift_right_arithmetic3A_682 : i32 to vector<16xi32>
        %shift_right_arithmetic3A_684 = arith.shrsi %shift_right_arithmetic3A_106, %shift_right_arithmetic3A_683 : vector<16xi32>
        %and3A_685 = arith.constant 16 : i32
        %and3A_686 = vector.broadcast %and3A_685 : i32 to vector<16xi32>
        %and3A_687 = arith.andi %shift_right_arithmetic3A_684, %and3A_686 : vector<16xi32>
        %or3A_688 = arith.ori %or3A_681, %and3A_687 : vector<16xi32>
        %shift_right_arithmetic3A_689 = arith.constant 4 : i32
        %shift_right_arithmetic3A_690 = vector.broadcast %shift_right_arithmetic3A_689 : i32 to vector<16xi32>
        %shift_right_arithmetic3A_691 = arith.shrsi %shift_right_arithmetic3A_121, %shift_right_arithmetic3A_690 : vector<16xi32>
        %and3A_692 = arith.constant 8 : i32
        %and3A_693 = vector.broadcast %and3A_692 : i32 to vector<16xi32>
        %and3A_694 = arith.andi %shift_right_arithmetic3A_691, %and3A_693 : vector<16xi32>
        %or3A_695 = arith.ori %or3A_688, %and3A_694 : vector<16xi32>
        %shift_right_arithmetic3A_696 = arith.constant 5 : i32
        %shift_right_arithmetic3A_697 = vector.broadcast %shift_right_arithmetic3A_696 : i32 to vector<16xi32>
        %shift_right_arithmetic3A_698 = arith.shrsi %shift_right_arithmetic3A_136, %shift_right_arithmetic3A_697 : vector<16xi32>
        %and3A_699 = arith.constant 4 : i32
        %and3A_700 = vector.broadcast %and3A_699 : i32 to vector<16xi32>
        %and3A_701 = arith.andi %shift_right_arithmetic3A_698, %and3A_700 : vector<16xi32>
        %or3A_702 = arith.ori %or3A_695, %and3A_701 : vector<16xi32>
        %shift_right_arithmetic3A_703 = arith.constant 6 : i32
        %shift_right_arithmetic3A_704 = vector.broadcast %shift_right_arithmetic3A_703 : i32 to vector<16xi32>
        %shift_right_arithmetic3A_705 = arith.shrsi %shift_right_arithmetic3A_151, %shift_right_arithmetic3A_704 : vector<16xi32>
        %and3A_706 = arith.constant 2 : i32
        %and3A_707 = vector.broadcast %and3A_706 : i32 to vector<16xi32>
        %and3A_708 = arith.andi %shift_right_arithmetic3A_705, %and3A_707 : vector<16xi32>
        %or3A_709 = arith.ori %or3A_702, %and3A_708 : vector<16xi32>
        %shift_right_arithmetic3A_710 = arith.constant 7 : i32
        %shift_right_arithmetic3A_711 = vector.broadcast %shift_right_arithmetic3A_710 : i32 to vector<16xi32>
        %shift_right_arithmetic3A_712 = arith.shrsi %shift_right_arithmetic3A_166, %shift_right_arithmetic3A_711 : vector<16xi32>
        %and3A_713 = arith.constant 1 : i32
        %and3A_714 = vector.broadcast %and3A_713 : i32 to vector<16xi32>
        %and3A_715 = arith.andi %shift_right_arithmetic3A_712, %and3A_714 : vector<16xi32>
        %or3A_716 = arith.ori %or3A_709, %and3A_715 : vector<16xi32>
        %shift_right_arithmetic3A_717 = arith.constant 5 : i32
        %shift_right_arithmetic3A_718 = vector.broadcast %shift_right_arithmetic3A_717 : i32 to vector<16xi32>
        %shift_right_arithmetic3A_719 = arith.shrsi %or3A_716, %shift_right_arithmetic3A_718 : vector<16xi32>
        %add3A_720 = arith.addi %add3A_51, %shift_right_arithmetic3A_719 : vector<16xi32>
        %gather3A_721 = tpu.vector_load_idx %arg8[%add3A_720] : memref<12800xi32, #tpu.memory_space<vmem>>[vector<16xi32>], vector<16xi32>,
        %and3A_722 = arith.constant 31 : i32
        %and3A_723 = vector.broadcast %and3A_722 : i32 to vector<16xi32>
        %and3A_724 = arith.andi %or3A_716, %and3A_723 : vector<16xi32>
        %shift_right_arithmetic3A_725 = arith.shrsi %gather3A_721, %and3A_724 : vector<16xi32>
        %and3A_726 = arith.constant 1 : i32
        %and3A_727 = vector.broadcast %and3A_726 : i32 to vector<16xi32>
        %and3A_728 = arith.andi %shift_right_arithmetic3A_725, %and3A_727 : vector<16xi32>
        %shift_left3A_729 = arith.constant 7 : i32
        %shift_left3A_730 = vector.broadcast %shift_left3A_729 : i32 to vector<16xi32>
        %shift_left3A_731 = arith.shli %and3A_728, %shift_left3A_730 : vector<16xi32>
        %or3A_732 = arith.ori %or3A_661, %shift_left3A_731 : vector<16xi32>
        %swap3A_733 = arith.index_cast %mul3A_47 : i32 to index
        %swap3A_734 = tpu.vector_load %arg9[%swap3A_733] {strides = array<i32>} : memref<1600xi32, #tpu.memory_space<vmem>>, vector<16xi32>,
        tpu.vector_store %arg9[%swap3A_733], %or3A_732 {strides = array<i32>} : memref<1600xi32, #tpu.memory_space<vmem>>, vector<16xi32>,
      }
      %scan3A_41 = arith.constant 100 : i32
      %mul3A_42 = arith.constant 51200 : i32
      %mul3A_43 = arith.muli %scan3A_29, %mul3A_42 : i32
      %add3A_44 = arith.addi %mul3A_43, %mul3A_2 : i32
      "tpu.region"() ({
        %run_scoped3A = tpu.sem_alloc : memref<!tpu.dma_semaphore, #tpu.memory_space<semaphore_mem>>
        %dma_start3A = tpu.memref_slice %arg5[%add3A_44] : memref<819200xi32, #tpu.memory_space<hbm>> -> memref<1600xi32, #tpu.memory_space<hbm>>
        %dma_start3A_45 = tpu.memref_slice %arg5[%add3A_44] : memref<819200xi32, #tpu.memory_space<hbm>> -> memref<1600xi32, #tpu.memory_space<hbm>>
        tpu.enqueue_dma source(%arg9 : memref<1600xi32, #tpu.memory_space<vmem>>) target(%dma_start3A_45 : memref<1600xi32, #tpu.memory_space<hbm>>) target_semaphore(%run_scoped3A : memref<!tpu.dma_semaphore, #tpu.memory_space<semaphore_mem>>)
        %dma_wait3A = tpu.memref_slice %arg5[%add3A_44] : memref<819200xi32, #tpu.memory_space<hbm>> -> memref<1600xi32, #tpu.memory_space<hbm>>
        %dma_wait3A_46 = tpu.memref_slice %arg5[%add3A_44] : memref<819200xi32, #tpu.memory_space<hbm>> -> memref<1600xi32, #tpu.memory_space<hbm>>
        tpu.wait_dma2 semaphore(%run_scoped3A : memref<!tpu.dma_semaphore, #tpu.memory_space<semaphore_mem>>) src(%arg9 : memref<1600xi32, #tpu.memory_space<vmem>>) dst(%dma_wait3A_46 : memref<1600xi32, #tpu.memory_space<hbm>>)
        tpu.yield
      }) : () -> ()
    }
    %scan3A_28 = arith.constant 16 : i32
    return
  }
}

module attributes {stable_mosaic.version = 14 : i64} {
  func.func @_prep_body(%arg0: i32, %arg1: memref<128x512xi32, #tpu.memory_space<vmem>>, %arg2: memref<128x512xf32, #tpu.memory_space<vmem>>, %arg3: memref<512x1xi32, #tpu.memory_space<vmem>>, %arg4: memref<16x128xf32, #tpu.memory_space<vmem>>, %arg5: memref<512x128xf32, #tpu.memory_space<vmem>>, %arg6: memref<512x128xf32, #tpu.memory_space<vmem>>, %arg7: memref<512x256xi32, #tpu.memory_space<vmem>>, %arg8: memref<256x8xf32, #tpu.memory_space<vmem>>, %arg9: memref<256x8xf32, #tpu.memory_space<vmem>>, %arg10: memref<8x512xi32, #tpu.memory_space<vmem>>, %arg11: memref<8x512xi32, #tpu.memory_space<vmem>>, %arg12: memref<16x128xi32, #tpu.memory_space<vmem>>, %arg13: memref<512x8xi32, #tpu.memory_space<vmem>>, %arg14: memref<8x512xi32, #tpu.memory_space<vmem>>) attributes {dimension_semantics = [#tpu.dimension_semantics<arbitrary>], iteration_bounds = array<i64: 100>, scalar_prefetch = 0 : i64, scratch_operands = 0 : i64, tpu.core_type = #tpu.core_type<tc>, window_params = [{transform_indices = @transform_0, window_bounds = array<i64: 128, 512>}, {pipeline_mode = #tpu.pipeline_mode<synchronous>, transform_indices = @transform_1, window_bounds = array<i64: 128, 512>}, {pipeline_mode = #tpu.pipeline_mode<synchronous>, transform_indices = @transform_2, window_bounds = array<i64: 512, 1>}, {pipeline_mode = #tpu.pipeline_mode<synchronous>, transform_indices = @transform_3, window_bounds = array<i64: 16, 128>}, {pipeline_mode = #tpu.pipeline_mode<synchronous>, transform_indices = @transform_4, window_bounds = array<i64: 512, 128>}, {pipeline_mode = #tpu.pipeline_mode<synchronous>, transform_indices = @transform_5, window_bounds = array<i64: 512, 128>}, {transform_indices = @transform_6, window_bounds = array<i64: 512, 256>}, {pipeline_mode = #tpu.pipeline_mode<synchronous>, transform_indices = @transform_7, window_bounds = array<i64: 256, 8>}, {pipeline_mode = #tpu.pipeline_mode<synchronous>, transform_indices = @transform_8, window_bounds = array<i64: 256, 8>}, {transform_indices = @transform_9, window_bounds = array<i64: 8, 512>}, {transform_indices = @transform_10, window_bounds = array<i64: 8, 512>}, {transform_indices = @transform_11, window_bounds = array<i64: 16, 128>}, {transform_indices = @transform_12, window_bounds = array<i64: 512, 8>}, {transform_indices = @transform_13, window_bounds = array<i64: 8, 512>}]} {
    %mul3A = arith.constant 512 : i32
    %mul3A_0 = arith.muli %arg0, %mul3A : i32
    %get3A = arith.constant 0 : index
    %get3A_1 = arith.constant 0 : index
    %get3A_2 = vector.load %arg3[%get3A, %get3A_1] : memref<512x1xi32, #tpu.memory_space<vmem>>, vector<512x1xi32>
    %iota3A = tpu.iota {dimensions = array<i32: 1>} : vector<512x512xi32>
    %add3A = vector.broadcast %mul3A_0 : i32 to vector<512x512xi32>
    %add3A_3 = arith.addi %add3A, %iota3A : vector<512x512xi32>
    %eq3A = vector.broadcast %get3A_2 : vector<512x1xi32> to vector<512x512xi32>
    %eq3A_4 = arith.cmpi eq, %eq3A, %add3A_3 : vector<512x512xi32>
    %convert_element_type3A = arith.extui %eq3A_4 : vector<512x512xi1> to vector<512x512xi32>
    %convert_element_type3A_5 = arith.sitofp %convert_element_type3A : vector<512x512xi32> to vector<512x512xf32>
    %get3A_6 = arith.constant 0 : index
    %get3A_7 = arith.constant 0 : index
    %get3A_8 = vector.load %arg2[%get3A_6, %get3A_7] : memref<128x512xf32, #tpu.memory_space<vmem>>, vector<128x512xf32>
    %dot_general3A = arith.constant dense<0.000000e+00> : vector<128x512xf32>
    %dot_general3A_9 = tpu.matmul %get3A_8, %convert_element_type3A_5, %dot_general3A {dimension_numbers = #tpu.dot_dimension_numbers<[1], [0], [0], [1], [0, 0, 1, 1], [], []>, transpose_lhs_hint = false} : vector<128x512xf32>, vector<512x512xf32>, vector<128x512xf32> -> vector<128x512xf32>
    %get3A_10 = arith.constant 0 : index
    %get3A_11 = arith.constant 0 : index
    %get3A_12 = vector.load %arg1[%get3A_10, %get3A_11] : memref<128x512xi32, #tpu.memory_space<vmem>>, vector<128x512xi32>
    %convert_element_type3A_13 = arith.fptosi %dot_general3A_9 : vector<128x512xf32> to vector<128x512xi32>
    %xor3A = arith.xori %get3A_12, %convert_element_type3A_13 : vector<128x512xi32>
    %convert_element_type3A_14 = arith.sitofp %xor3A : vector<128x512xi32> to vector<128x512xf32>
    %get3A_15 = arith.constant 0 : index
    %get3A_16 = arith.constant 0 : index
    %get3A_17 = vector.load %arg4[%get3A_15, %get3A_16] : memref<16x128xf32, #tpu.memory_space<vmem>>, vector<16x128xf32>
    %dot_general3A_18 = arith.constant dense<0.000000e+00> : vector<16x512xf32>
    %dot_general3A_19 = tpu.matmul %get3A_17, %convert_element_type3A_14, %dot_general3A_18 {dimension_numbers = #tpu.dot_dimension_numbers<[1], [0], [0], [1], [0, 0, 1, 1], [], []>, transpose_lhs_hint = false} : vector<16x128xf32>, vector<128x512xf32>, vector<16x512xf32> -> vector<16x512xf32>
    %get3A_20 = arith.constant 0 : index
    %get3A_21 = arith.constant 0 : index
    %get3A_22 = vector.load %arg5[%get3A_20, %get3A_21] : memref<512x128xf32, #tpu.memory_space<vmem>>, vector<512x128xf32>
    %dot_general3A_23 = arith.constant dense<0.000000e+00> : vector<16x128xf32>
    %dot_general3A_24 = tpu.matmul %dot_general3A_19, %get3A_22, %dot_general3A_23 {dimension_numbers = #tpu.dot_dimension_numbers<[1], [0], [0], [1], [0, 0, 1, 1], [], []>, transpose_lhs_hint = false} : vector<16x512xf32>, vector<512x128xf32>, vector<16x128xf32> -> vector<16x128xf32>
    %get3A_25 = arith.constant 0 : index
    %get3A_26 = arith.constant 0 : index
    %get3A_27 = vector.load %arg6[%get3A_25, %get3A_26] : memref<512x128xf32, #tpu.memory_space<vmem>>, vector<512x128xf32>
    %dot_general3A_28 = arith.constant dense<0.000000e+00> : vector<16x128xf32>
    %dot_general3A_29 = tpu.matmul %dot_general3A_19, %get3A_27, %dot_general3A_28 {dimension_numbers = #tpu.dot_dimension_numbers<[1], [0], [0], [1], [0, 0, 1, 1], [], []>, transpose_lhs_hint = false} : vector<16x512xf32>, vector<512x128xf32>, vector<16x128xf32> -> vector<16x128xf32>
    %convert_element_type3A_30 = arith.fptosi %dot_general3A_24 : vector<16x128xf32> to vector<16x128xi32>
    %convert_element_type3A_31 = arith.fptosi %dot_general3A_29 : vector<16x128xf32> to vector<16x128xi32>
    %shift_left3A = arith.constant 16 : i32
    %shift_left3A_32 = vector.broadcast %shift_left3A : i32 to vector<16x128xi32>
    %shift_left3A_33 = arith.shli %convert_element_type3A_31, %shift_left3A_32 : vector<16x128xi32>
    %or3A = arith.ori %convert_element_type3A_30, %shift_left3A_33 : vector<16x128xi32>
    %swap3A = arith.constant 0 : index
    %swap3A_34 = arith.constant 0 : index
    %swap3A_35 = vector.load %arg12[%swap3A, %swap3A_34] : memref<16x128xi32, #tpu.memory_space<vmem>>, vector<16x128xi32>
    tpu.vector_store %arg12[%swap3A, %swap3A_34], %or3A {strides = array<i32>} : memref<16x128xi32, #tpu.memory_space<vmem>>, vector<16x128xi32>,
    %get3A_36 = arith.constant 0 : index
    %get3A_37 = arith.constant 0 : index
    %get3A_38 = vector.load %arg7[%get3A_36, %get3A_37] : memref<512x256xi32, #tpu.memory_space<vmem>>, vector<512x256xi32>
    %convert_element_type3A_39 = arith.sitofp %get3A_38 : vector<512x256xi32> to vector<512x256xf32>
    %get3A_40 = arith.constant 0 : index
    %get3A_41 = arith.constant 0 : index
    %get3A_42 = vector.load %arg8[%get3A_40, %get3A_41] : memref<256x8xf32, #tpu.memory_space<vmem>>, vector<256x8xf32>
    %dot_general3A_43 = arith.constant dense<0.000000e+00> : vector<512x8xf32>
    %dot_general3A_44 = tpu.matmul %convert_element_type3A_39, %get3A_42, %dot_general3A_43 {dimension_numbers = #tpu.dot_dimension_numbers<[1], [0], [0], [1], [0, 0, 1, 1], [], []>, transpose_lhs_hint = false} : vector<512x256xf32>, vector<256x8xf32>, vector<512x8xf32> -> vector<512x8xf32>
    %get3A_45 = arith.constant 0 : index
    %get3A_46 = arith.constant 0 : index
    %get3A_47 = vector.load %arg9[%get3A_45, %get3A_46] : memref<256x8xf32, #tpu.memory_space<vmem>>, vector<256x8xf32>
    %dot_general3A_48 = arith.constant dense<0.000000e+00> : vector<512x8xf32>
    %dot_general3A_49 = tpu.matmul %convert_element_type3A_39, %get3A_47, %dot_general3A_48 {dimension_numbers = #tpu.dot_dimension_numbers<[1], [0], [0], [1], [0, 0, 1, 1], [], []>, transpose_lhs_hint = false} : vector<512x256xf32>, vector<256x8xf32>, vector<512x8xf32> -> vector<512x8xf32>
    %convert_element_type3A_50 = arith.fptosi %dot_general3A_44 : vector<512x8xf32> to vector<512x8xi32>
    %convert_element_type3A_51 = arith.fptosi %dot_general3A_49 : vector<512x8xf32> to vector<512x8xi32>
    %shift_left3A_52 = arith.constant 16 : i32
    %shift_left3A_53 = vector.broadcast %shift_left3A_52 : i32 to vector<512x8xi32>
    %shift_left3A_54 = arith.shli %convert_element_type3A_51, %shift_left3A_53 : vector<512x8xi32>
    %or3A_55 = arith.ori %convert_element_type3A_50, %shift_left3A_54 : vector<512x8xi32>
    %swap3A_56 = arith.constant 0 : index
    %swap3A_57 = arith.constant 0 : index
    %swap3A_58 = vector.load %arg13[%swap3A_56, %swap3A_57] : memref<512x8xi32, #tpu.memory_space<vmem>>, vector<512x8xi32>
    tpu.vector_store %arg13[%swap3A_56, %swap3A_57], %or3A_55 {strides = array<i32>} : memref<512x8xi32, #tpu.memory_space<vmem>>, vector<512x8xi32>,
    %get3A_59 = arith.constant 0 : index
    %get3A_60 = arith.constant 0 : index
    %get3A_61 = vector.load %arg11[%get3A_59, %get3A_60] : memref<8x512xi32, #tpu.memory_space<vmem>>, vector<8x512xi32>
    %get3A_62 = arith.constant 0 : index
    %get3A_63 = arith.constant 0 : index
    %get3A_64 = vector.load %arg10[%get3A_62, %get3A_63] : memref<8x512xi32, #tpu.memory_space<vmem>>, vector<8x512xi32>
    %mul3A_65 = arith.muli %get3A_64, %get3A_61 : vector<8x512xi32>
    %sub3A = arith.constant 1 : i32
    %sub3A_66 = vector.broadcast %sub3A : i32 to vector<8x512xi32>
    %sub3A_67 = arith.subi %sub3A_66, %get3A_61 : vector<8x512xi32>
    %mul3A_68 = arith.constant 50176 : i32
    %mul3A_69 = vector.broadcast %mul3A_68 : i32 to vector<8x512xi32>
    %mul3A_70 = arith.muli %mul3A_69, %sub3A_67 : vector<8x512xi32>
    %add3A_71 = arith.addi %mul3A_65, %mul3A_70 : vector<8x512xi32>
    %jit3A = arith.constant 0 : i32
    %jit3A_72 = arith.constant 50176 : i32
    %max3A = vector.broadcast %jit3A : i32 to vector<8x512xi32>
    %max3A_73 = arith.maxsi %max3A, %add3A_71 : vector<8x512xi32>
    %min3A = vector.broadcast %jit3A_72 : i32 to vector<8x512xi32>
    %min3A_74 = arith.minsi %min3A, %max3A_73 : vector<8x512xi32>
    %swap3A_75 = arith.constant 0 : index
    %swap3A_76 = arith.constant 0 : index
    %swap3A_77 = vector.load %arg14[%swap3A_75, %swap3A_76] : memref<8x512xi32, #tpu.memory_space<vmem>>, vector<8x512xi32>
    tpu.vector_store %arg14[%swap3A_75, %swap3A_76], %min3A_74 {strides = array<i32>} : memref<8x512xi32, #tpu.memory_space<vmem>>, vector<8x512xi32>,
    return
  }
  func.func @transform_0(%arg0: i32) -> (i32, i32) {
    %min3A = arith.constant 97 : i32
    %min3A_0 = arith.minsi %arg0, %min3A : i32
    %c0_i32 = arith.constant 0 : i32
    %c0_i32_1 = arith.constant 0 : i32
    return %c0_i32, %min3A_0 : i32, i32
  }
  func.func @transform_1(%arg0: i32) -> (i32, i32) {
    %c0_i32 = arith.constant 0 : i32
    %c0_i32_0 = arith.constant 0 : i32
    %c0_i32_1 = arith.constant 0 : i32
    return %c0_i32, %c0_i32_0 : i32, i32
  }
  func.func @transform_2(%arg0: i32) -> (i32, i32) {
    %c0_i32 = arith.constant 0 : i32
    %c0_i32_0 = arith.constant 0 : i32
    %c0_i32_1 = arith.constant 0 : i32
    return %c0_i32, %c0_i32_0 : i32, i32
  }
  func.func @transform_3(%arg0: i32) -> (i32, i32) {
    %c0_i32 = arith.constant 0 : i32
    %c0_i32_0 = arith.constant 0 : i32
    %c0_i32_1 = arith.constant 0 : i32
    return %c0_i32, %c0_i32_0 : i32, i32
  }
  func.func @transform_4(%arg0: i32) -> (i32, i32) {
    %c0_i32 = arith.constant 0 : i32
    %c0_i32_0 = arith.constant 0 : i32
    %c0_i32_1 = arith.constant 0 : i32
    return %c0_i32, %c0_i32_0 : i32, i32
  }
  func.func @transform_5(%arg0: i32) -> (i32, i32) {
    %c0_i32 = arith.constant 0 : i32
    %c0_i32_0 = arith.constant 0 : i32
    %c0_i32_1 = arith.constant 0 : i32
    return %c0_i32, %c0_i32_0 : i32, i32
  }
  func.func @transform_6(%arg0: i32) -> (i32, i32) {
    %min3A = arith.constant 97 : i32
    %min3A_0 = arith.minsi %arg0, %min3A : i32
    %c0_i32 = arith.constant 0 : i32
    %c0_i32_1 = arith.constant 0 : i32
    return %min3A_0, %c0_i32 : i32, i32
  }
  func.func @transform_7(%arg0: i32) -> (i32, i32) {
    %c0_i32 = arith.constant 0 : i32
    %c0_i32_0 = arith.constant 0 : i32
    %c0_i32_1 = arith.constant 0 : i32
    return %c0_i32, %c0_i32_0 : i32, i32
  }
  func.func @transform_8(%arg0: i32) -> (i32, i32) {
    %c0_i32 = arith.constant 0 : i32
    %c0_i32_0 = arith.constant 0 : i32
    %c0_i32_1 = arith.constant 0 : i32
    return %c0_i32, %c0_i32_0 : i32, i32
  }
  func.func @transform_9(%arg0: i32) -> (i32, i32) {
    %min3A = arith.constant 97 : i32
    %min3A_0 = arith.minsi %arg0, %min3A : i32
    %c0_i32 = arith.constant 0 : i32
    %c0_i32_1 = arith.constant 0 : i32
    return %c0_i32, %min3A_0 : i32, i32
  }
  func.func @transform_10(%arg0: i32) -> (i32, i32) {
    %min3A = arith.constant 97 : i32
    %min3A_0 = arith.minsi %arg0, %min3A : i32
    %c0_i32 = arith.constant 0 : i32
    %c0_i32_1 = arith.constant 0 : i32
    return %c0_i32, %min3A_0 : i32, i32
  }
  func.func @transform_11(%arg0: i32) -> (i32, i32) {
    %c0_i32 = arith.constant 0 : i32
    %c0_i32_0 = arith.constant 0 : i32
    return %c0_i32, %arg0 : i32, i32
  }
  func.func @transform_12(%arg0: i32) -> (i32, i32) {
    %c0_i32 = arith.constant 0 : i32
    %c0_i32_0 = arith.constant 0 : i32
    return %arg0, %c0_i32 : i32, i32
  }
  func.func @transform_13(%arg0: i32) -> (i32, i32) {
    %c0_i32 = arith.constant 0 : i32
    %c0_i32_0 = arith.constant 0 : i32
    return %c0_i32, %arg0 : i32, i32
  }
}

module attributes {stable_mosaic.version = 14 : i64} {
  func.func @_readout_body(%arg0: i32, %arg1: memref<16x512xi32, #tpu.memory_space<vmem>>, %arg2: memref<16x512xf32, #tpu.memory_space<vmem>>, %arg3: memref<16x128xf32, #tpu.memory_space<vmem>>, %arg4: memref<16x128xf32, #tpu.memory_space<vmem>>, %arg5: memref<16x128xf32, #tpu.memory_space<vmem>>) attributes {dimension_semantics = [#tpu.dimension_semantics<arbitrary>], iteration_bounds = array<i64: 100>, scalar_prefetch = 0 : i64, scratch_operands = 0 : i64, tpu.core_type = #tpu.core_type<tc>, window_params = [{transform_indices = @transform_0, window_bounds = array<i64: 16, 512>}, {transform_indices = @transform_1, window_bounds = array<i64: 16, 512>}, {pipeline_mode = #tpu.pipeline_mode<synchronous>, transform_indices = @transform_2, window_bounds = array<i64: 16, 128>}, {pipeline_mode = #tpu.pipeline_mode<synchronous>, transform_indices = @transform_3, window_bounds = array<i64: 16, 128>}, {pipeline_mode = #tpu.pipeline_mode<synchronous>, transform_indices = @transform_4, window_bounds = array<i64: 16, 128>}]} {
    %get3A = arith.constant 0 : index
    %get3A_0 = arith.constant 0 : index
    %get3A_1 = vector.load %arg1[%get3A, %get3A_0] : memref<16x512xi32, #tpu.memory_space<vmem>>, vector<16x512xi32>
    %transpose3A = tpu.transpose %get3A_1, [1, 0] : vector<16x512xi32> -> vector<512x16xi32>
    %convert_element_type3A = arith.sitofp %transpose3A : vector<512x16xi32> to vector<512x16xf32>
    %get3A_2 = arith.constant 0 : index
    %get3A_3 = arith.constant 0 : index
    %get3A_4 = vector.load %arg4[%get3A_2, %get3A_3] : memref<16x128xf32, #tpu.memory_space<vmem>>, vector<16x128xf32>
    %dot_general3A = arith.constant dense<0.000000e+00> : vector<512x128xf32>
    %dot_general3A_5 = tpu.matmul %convert_element_type3A, %get3A_4, %dot_general3A {dimension_numbers = #tpu.dot_dimension_numbers<[1], [0], [0], [1], [0, 0, 1, 1], [], []>, transpose_lhs_hint = false} : vector<512x16xf32>, vector<16x128xf32>, vector<512x128xf32> -> vector<512x128xf32>
    %convert_element_type3A_6 = arith.fptosi %dot_general3A_5 : vector<512x128xf32> to vector<512x128xi32>
    %iota3A = tpu.iota {dimensions = array<i32: 1>} : vector<512x128xi32>
    %and3A = arith.constant 7 : i32
    %and3A_7 = vector.broadcast %and3A : i32 to vector<512x128xi32>
    %and3A_8 = arith.andi %iota3A, %and3A_7 : vector<512x128xi32>
    %shift_right_arithmetic3A = arith.shrsi %convert_element_type3A_6, %and3A_8 : vector<512x128xi32>
    %and3A_9 = arith.constant 1 : i32
    %and3A_10 = vector.broadcast %and3A_9 : i32 to vector<512x128xi32>
    %and3A_11 = arith.andi %shift_right_arithmetic3A, %and3A_10 : vector<512x128xi32>
    %convert_element_type3A_12 = arith.sitofp %and3A_11 : vector<512x128xi32> to vector<512x128xf32>
    %get3A_13 = arith.constant 0 : index
    %get3A_14 = arith.constant 0 : index
    %get3A_15 = vector.load %arg2[%get3A_13, %get3A_14] : memref<16x512xf32, #tpu.memory_space<vmem>>, vector<16x512xf32>
    %dot_general3A_16 = arith.constant dense<0.000000e+00> : vector<16x128xf32>
    %dot_general3A_17 = tpu.matmul %get3A_15, %convert_element_type3A_12, %dot_general3A_16 {dimension_numbers = #tpu.dot_dimension_numbers<[1], [0], [0], [1], [0, 0, 1, 1], [], []>, transpose_lhs_hint = false} : vector<16x512xf32>, vector<512x128xf32>, vector<16x128xf32> -> vector<16x128xf32>
    %eq3A = arith.constant 0 : i32
    %eq3A_18 = arith.cmpi eq, %arg0, %eq3A : i32
    %convert_element_type3A_19 = arith.extui %eq3A_18 : i1 to i32
    %cond3A = arith.constant 0 : i32
    %cond3A_20 = arith.cmpi ne, %convert_element_type3A_19, %cond3A : i32
    scf.if %cond3A_20 {
      %broadcast_in_dim3A = arith.constant 0.000000e+00 : f32
      %broadcast_in_dim3A_31 = vector.broadcast %broadcast_in_dim3A : f32 to vector<16x128xf32>
      %swap3A_32 = arith.constant 0 : index
      %swap3A_33 = arith.constant 0 : index
      %swap3A_34 = vector.load %arg5[%swap3A_32, %swap3A_33] : memref<16x128xf32, #tpu.memory_space<vmem>>, vector<16x128xf32>
      tpu.vector_store %arg5[%swap3A_32, %swap3A_33], %broadcast_in_dim3A_31 {strides = array<i32>} : memref<16x128xf32, #tpu.memory_space<vmem>>, vector<16x128xf32>,
    } else {
    }
    %get3A_21 = arith.constant 0 : index
    %get3A_22 = arith.constant 0 : index
    %get3A_23 = vector.load %arg5[%get3A_21, %get3A_22] : memref<16x128xf32, #tpu.memory_space<vmem>>, vector<16x128xf32>
    %add3A = arith.addf %get3A_23, %dot_general3A_17 : vector<16x128xf32>
    %swap3A = arith.constant 0 : index
    %swap3A_24 = arith.constant 0 : index
    %swap3A_25 = vector.load %arg5[%swap3A, %swap3A_24] : memref<16x128xf32, #tpu.memory_space<vmem>>, vector<16x128xf32>
    tpu.vector_store %arg5[%swap3A, %swap3A_24], %add3A {strides = array<i32>} : memref<16x128xf32, #tpu.memory_space<vmem>>, vector<16x128xf32>,
    %eq3A_26 = arith.constant 99 : i32
    %eq3A_27 = arith.cmpi eq, %arg0, %eq3A_26 : i32
    %convert_element_type3A_28 = arith.extui %eq3A_27 : i1 to i32
    %cond3A_29 = arith.constant 0 : i32
    %cond3A_30 = arith.cmpi ne, %convert_element_type3A_28, %cond3A_29 : i32
    scf.if %cond3A_30 {
      %get3A_31 = arith.constant 0 : index
      %get3A_32 = arith.constant 0 : index
      %get3A_33 = vector.load %arg5[%get3A_31, %get3A_32] : memref<16x128xf32, #tpu.memory_space<vmem>>, vector<16x128xf32>
      %get3A_34 = arith.constant 0 : index
      %get3A_35 = arith.constant 0 : index
      %get3A_36 = vector.load %arg3[%get3A_34, %get3A_35] : memref<16x128xf32, #tpu.memory_space<vmem>>, vector<16x128xf32>
      %add3A_37 = arith.addf %get3A_33, %get3A_36 : vector<16x128xf32>
      %neg3A = arith.constant 0.000000e+00 : f32
      %neg3A_38 = vector.broadcast %neg3A : f32 to vector<16x128xf32>
      %neg3A_39 = arith.subf %neg3A_38, %add3A_37 : vector<16x128xf32>
      %exp3A = math.exp %neg3A_39 : vector<16x128xf32>
      %add3A_40 = arith.constant 1.000000e+00 : f32
      %add3A_41 = vector.broadcast %add3A_40 : f32 to vector<16x128xf32>
      %add3A_42 = arith.addf %add3A_41, %exp3A : vector<16x128xf32>
      %div3A = arith.constant 1.000000e+00 : f32
      %div3A_43 = vector.broadcast %div3A : f32 to vector<16x128xf32>
      %div3A_44 = arith.divf %div3A_43, %add3A_42 : vector<16x128xf32>
      %swap3A_45 = arith.constant 0 : index
      %swap3A_46 = arith.constant 0 : index
      %swap3A_47 = vector.load %arg5[%swap3A_45, %swap3A_46] : memref<16x128xf32, #tpu.memory_space<vmem>>, vector<16x128xf32>
      tpu.vector_store %arg5[%swap3A_45, %swap3A_46], %div3A_44 {strides = array<i32>} : memref<16x128xf32, #tpu.memory_space<vmem>>, vector<16x128xf32>,
    } else {
    }
    return
  }
  func.func @transform_0(%arg0: i32) -> (i32, i32) {
    %c0_i32 = arith.constant 0 : i32
    %c0_i32_0 = arith.constant 0 : i32
    return %c0_i32, %arg0 : i32, i32
  }
  func.func @transform_1(%arg0: i32) -> (i32, i32) {
    %c0_i32 = arith.constant 0 : i32
    %c0_i32_0 = arith.constant 0 : i32
    return %c0_i32, %arg0 : i32, i32
  }
  func.func @transform_2(%arg0: i32) -> (i32, i32) {
    %c0_i32 = arith.constant 0 : i32
    %c0_i32_0 = arith.constant 0 : i32
    %c0_i32_1 = arith.constant 0 : i32
    return %c0_i32, %c0_i32_0 : i32, i32
  }
  func.func @transform_3(%arg0: i32) -> (i32, i32) {
    %c0_i32 = arith.constant 0 : i32
    %c0_i32_0 = arith.constant 0 : i32
    %c0_i32_1 = arith.constant 0 : i32
    return %c0_i32, %c0_i32_0 : i32, i32
  }
  func.func @transform_4(%arg0: i32) -> (i32, i32) {
    %c0_i32 = arith.constant 0 : i32
    %c0_i32_0 = arith.constant 0 : i32
    %c0_i32_1 = arith.constant 0 : i32
    return %c0_i32, %c0_i32_0 : i32, i32
  }
}

</mosaic_0001>

<sc_bundles>
// kernel: kernel.5.cloned.1.call-start
scs
__scs_entry_jumppad:
0x0: {  	(pc) =	sbr.rel $0x88, $3  }
0x1: {  	(tag) =	ssettag $0x0;
	lr =	simm.s32 $0x1  }
0x2: {  	[smem:$0x3F99] =	sst lr;
	_ =	strace $0xD0000000  }
0x3: {  	_ = 	snop  }
0x4: {  	_ = 	snop  }
0x5: {  	_ = 	snop  }
0x6: {  	_ = 	snop  }
0x7: {  	_ = 	snop  }
__scs_overlays_trampoline_lowered:
0x8: {  	[smem:$0x3FA8] =	sst s0  }
0x9: {  	[smem:$0x3FA9] =	sst s1  }
0xa: {  	[smem:$0x3FAA] =	sst s2  }
0xb: {  	[smem:$0x3FAB] =	sst s3  }
0xc: {  	[smem:$0x3FAC] =	sst s4  }
0xd: {  	[smem:$0x3FAD] =	sst s5  }
0xe: {  	[smem:$0x3FAE] =	sst s6  }
0xf: {  	[smem:$0x3FAF] =	sst s7  }
0x10: {  	[smem:$0x3FB0] =	sst s8  }
0x11: {  	[smem:$0x3FB1] =	sst s9;
	s0 =	simm.s32 @!p0 $0x0  }
0x12: {  	s1 =	sld [smem:$0x3F97];
	s0 =	simm.s32 @p0 $0x1  }
0x13: {  	[smem:$0x3FB2] =	sst s0;
	s0 =	simm.s32 @!p1 $0x0  }
0x14: {  	s2 =	sld [smem:$0x3F96];
	s0 =	simm.s32 @p1 $0x1  }
0x15: {  	[smem:$0x3FB3] =	sst s0;
	s0 =	simm.s32 @!p2 $0x0  }
0x16: {  	s3 =	sld [smem:$0x3FDB];
	s0 =	simm.s32 @p2 $0x1  }
0x17: {  	s4 =	simm.s32 $0x1BF5;
	[smem:$0x3FB5] =	sst s0  }
0x18: {  	s0 =	sld [smem:$0x3F98];
	_ =	swait.ge [sflag:s4], $0x0  }
0x19: {  	s7 =	sld [smem:$0x3F99]  }
0x1a: {  	s8 =	sadd.s32 $0xFFFFE003, lr  }
0x1b: {  	s9 =	sadd.s32 $0xFFFFFEF7, lr;
	s5 =	simm.s32 $0xFFFFFFFF;
	p2 =	slt.u32 s8, $0xFFFFF086  }
0x1c: {  	p1 =	slt.u32 s9, $0xF7A;
	s5 =	simm.s32 @!p2 $0x0  }
0x1d: {  	s5 =	simm.s32 @p1 $0x1;
	p0 =	seq.s32 s7, s2  }
0x1e: {  	s7 =	smul.u32 @!p0 $0xF7A, s2;
	p2 =	seq.s32 @!p0 s5, $0x0  }
0x1f: {  	s9 =	smul.u32 $0xF7A, s1;
	s8 =	simm.s32 @!p0 $0x1BF5;
	p2 =	por !p2, p0  }
0x20: {  	[sflag:s8] =	ssyncset.s32 @!p0 $0xFFFFF086;
	s6 =	sadd.s32 @!p0 s3, s7;
	s7 =	simm.s32 @!p0 $0x108  }
0x21: {  	s3 =	sadd.s32 s3, s9;
	s6 =	sadd.s32 @!p0 $0x88, s6;
	s7 =	simm.s32 @p2 $0x1082  }
0x22: {  	[simem:s7], [sflag:s8] =	dma.local @!p0 [hbm:s6], $0xF7A  }
0x23: {  	s9 =	sor.u32 $0xD0000000, s2;
	s6 =	simm.s32 $0x108;
	_ =	swait.ge @!p0 [sflag:s8], $0x0  }
0x24: {  	s3 =	sadd.s32 $0x88, s3;
	s6 =	simm.s32 @!p1 $0x1082;
	[sflag:s4] =	ssyncset.s32 $0xFFFFF086  }
0x25: {  	[simem:s6], [sflag:s4] =	dma.local [hbm:s3], $0xF7A  }
0x26: {  	[smem:$0x3F99] =	sst s1;
	(tag) =	ssettag s2;
	_ =	strace s9  }
0x27: {  	s1 =	sld [smem:$0x3FA9]  }
0x28: {  	s2 =	sld [smem:$0x3FAA]  }
0x29: {  	s4 =	sld [smem:$0x3FAC]  }
0x2a: {  	p0 =	seq.s32 s5, $0x0;
	s5 =	sld [smem:$0x3FAD]  }
0x2b: {  	s6 =	sld [smem:$0x3FAE]  }
0x2c: {  	s7 =	sld [smem:$0x3FAF]  }
0x2d: {  	s3 =	simm.s32 $0x108;
	s8 =	sld [smem:$0x3FB0]  }
0x2e: {  	s3 =	simm.s32 @!p0 $0x1082;
	s9 =	sld [smem:$0x3FB1]  }
0x2f: {  	lr =	sadd.s32 s0, s3;
	s0 =	sld [smem:$0x3FA8]  }
0x30: {  	s3 =	sld [smem:$0x3FAB]  }
0x31: {  	[smem:$0x3FB4] =	sst s10  }
0x32: {  	s10 =	sld [smem:$0x3FB2];
	_ =	sdelay $0x3  }
0x33: {  	p0 =	seq.s32 s10, $0x1;
	s10 =	sld [smem:$0x3FB4];
	_ =	sdelay $0x3  }
0x34: {  	[smem:$0x3FB4] =	sst s10  }
0x35: {  	s10 =	sld [smem:$0x3FB3];
	_ =	sdelay $0x3  }
0x36: {  	p1 =	seq.s32 s10, $0x1;
	s10 =	sld [smem:$0x3FB4];
	_ =	sdelay $0x3  }
0x37: {  	[smem:$0x3FB4] =	sst s10  }
0x38: {  	s10 =	sld [smem:$0x3FB5]  }
0x39: {  	_ = 	snop;
	(pc) =	sbr.ind lr, $3  }
0x3a: {  	_ = 	snop  }
0x3b: {  	_ = 	snop  }
0x3c: {  	p2 =	seq.s32 s10, $0x1;
	s10 =	sld [smem:$0x3FB4]  }
0x3d: {  	_ =	shalt  }
0x3e: {  	_ =	shalt  }
0x3f: {  	_ =	shalt  }
0x40: {  	_ =	shalt  }
0x41: {  	_ =	shalt  }
0x42: {  	_ =	shalt  }
0x43: {  	_ =	shalt  }
0x44: {  	_ =	shalt  }
0x45: {  	_ =	shalt  }
0x46: {  	_ =	shalt  }
0x47: {  	_ =	shalt  }
0x48: {  	_ =	shalt  }
0x49: {  	_ =	shalt  }
0x4a: {  	_ =	shalt  }
0x4b: {  	_ =	shalt  }
0x4c: {  	_ =	shalt  }
0x4d: {  	_ =	shalt  }
0x4e: {  	_ =	shalt  }
0x4f: {  	_ =	shalt  }
0x50: {  	_ =	shalt  }
0x51: {  	_ =	shalt  }
0x52: {  	_ =	shalt  }
0x53: {  	_ =	shalt  }
0x54: {  	_ =	shalt  }
0x55: {  	_ =	shalt  }
0x56: {  	_ =	shalt  }
0x57: {  	_ =	shalt  }
0x58: {  	_ =	shalt  }
0x59: {  	_ =	shalt  }
0x5a: {  	_ =	shalt  }
0x5b: {  	_ =	shalt  }
0x5c: {  	_ =	shalt  }
0x5d: {  	_ =	shalt  }
0x5e: {  	_ =	shalt  }
0x5f: {  	_ =	shalt  }
0x60: {  	_ =	shalt  }
0x61: {  	_ =	shalt  }
0x62: {  	_ =	shalt  }
0x63: {  	_ =	shalt  }
0x64: {  	_ =	shalt  }
0x65: {  	_ =	shalt  }
0x66: {  	_ =	shalt  }
0x67: {  	_ =	shalt  }
0x68: {  	_ =	shalt  }
0x69: {  	_ =	shalt  }
0x6a: {  	_ =	shalt  }
0x6b: {  	_ =	shalt  }
0x6c: {  	_ =	shalt  }
0x6d: {  	_ =	shalt  }
0x6e: {  	_ =	shalt  }
0x6f: {  	_ =	shalt  }
0x70: {  	_ =	shalt  }
0x71: {  	_ =	shalt  }
0x72: {  	_ =	shalt  }
0x73: {  	_ =	shalt  }
0x74: {  	_ =	shalt  }
0x75: {  	_ =	shalt  }
0x76: {  	_ =	shalt  }
0x77: {  	_ =	shalt  }
0x78: {  	_ =	shalt  }
0x79: {  	_ =	shalt  }
0x7a: {  	_ =	shalt  }
0x7b: {  	_ =	shalt  }
0x7c: {  	_ =	shalt  }
0x7d: {  	_ =	shalt  }
0x7e: {  	_ =	shalt  }
0x7f: {  	_ =	shalt  }
0x80: {  	_ =	shalt  }
0x81: {  	_ =	shalt  }
0x82: {  	_ =	shalt  }
0x83: {  	_ =	shalt  }
0x84: {  	_ =	shalt  }
0x85: {  	_ =	shalt  }
0x86: {  	_ =	shalt  }
0x87: {  	_ =	shalt  }
.Lfunc_end0:
.L_simem_size_0:
called_computation_lowered:
.L_overlay_start_0:
0x88: {  	s2 =	sld [smem:$0x3FD9]  }
0x89: {  	s3 =	sld [smem:$0x3FFE];
	_ =	sdelay $0x1  }
0x8a: {  	s1 =	srdreg.scid  }
0x8b: {  	s0 =	sand.u32 $0x1, s1  }
0x8c: {  	s16 =	sshll.u32 s0, $0xA;
	s2 =	sadd.s32 s3, s2  }
0x8d: {  	s2 =	sadd.s32 s2, s16  }
0x8e: {  	[smem:$0x3FC0] =	sst s2  }
0x8f: {  	_ = 	snop  }
0x90: {  	(tm) =	ssettm $0x1  }
0x91: {  	s17 =	sld [smem:$0x3FFB];
	_ =	sdelay $0x3  }
0x92: {  	_ =	strace s17  }
0x93: {  	s2 =	sld [smem:$0x3FFC];
	_ =	sdelay $0x3  }
0x94: {  	_ =	strace s2  }
0x95: {  	s2 =	sld [smem:$0x3FFD];
	_ =	sdelay $0x3  }
0x96: {  	_ =	strace s2  }
0x97: {  	_ =	strace $0x8FFFFFFF  }
0x98: {  	s18 =	sld [smem:$0x3FDB];
	_ =	sdelay $0x1  }
0x99: {  	s19 =	simm.s32 $_scs_section_size  }
0x9a: {  	s4 =	simm.s32 $_size__tile_overlayer_lowered;
	s5 =	simm.s32 $_tile_overlayer_lowered  }
0x9b: {  	s22 =	simm.s32 $0x1BFF;
	s21 =	sshll.u32 s5, $0x1;
	s2 =	sadd.s32 s19, s18  }
0x9c: {  	s6 =	simm.s32 $0x0;
	s20 =	sshll.u32 s4, $0x1;
	s4 =	sadd.s32 s21, s2  }
0x9d: {  	[timem:s6], [sflag:s22] =	dma.local [hbm:s4], s20  }
0x9e: {  	_ =	swait.ge [sflag:s22], s20  }
0x9f: {  	s3 =	ssub.s32 $0x0, s20;
	[sflag:s22] =	ssyncset.done $0x0  }
0xa0: {  	[sflag:s22] =	ssyncadd.s32 s3;
	_ =	sdelay $0x1  }
0xa1: {  	s23 =	simm.s32 $0x1B8B  }
0xa2: {  	_ =	swait.ge [sflag:s23], $0x1  }
0xa3: {  	[sflag:s23] =	ssyncset.done $0x0  }
0xa4: {  	s25 =	simm.s32 $0x1B8E;
	s24 =	sld [smem:$0x3FFE];
	[sflag:s23] =	ssyncadd.s32 $0xFFFFFFFF  }
0xa5: {  	s26 =	simm.s32 $execute0_lowered;
	[smem:$0x3FD2] =	sst s25  }
0xa6: {  	s4 =	sshll.u32 s26, $0x1;
	_ =	strace $0x80000046;
	[dreg:$0x1] =	wrdreg $0xFFFFFFFF  }
0xa7: {  	s28 =	simm.s32 $_size_execute0_lowered;
	s2 =	sadd.s32 s2, s4;
	[dreg:$0x0] =	wrdreg $0x0  }
0xa8: {  	s4 =	sshll.u32 s28, $0x1;
	[dreg:$0x2] =	wrdreg s2  }
0xa9: {  	[dreg:$0x3] =	wrdreg s4  }
0xaa: {  	[dreg:$0x4] =	wrdreg $0xC0  }
0xab: {  	_ =	task [dreg:s6], $0x5FFFF  }
0xac: {  	[dreg:$0x1] =	wrdreg $0xFFFFFFFF  }
0xad: {  	[dreg:$0x0] =	wrdreg $0x60  }
0xae: {  	[dreg:$0x2] =	wrdreg s24  }
0xaf: {  	[dreg:$0x3] =	wrdreg $0x9  }
0xb0: {  	_ =	task.clear_ibuf [dreg:s6], $0x4FFFF;
	_ =	strace $0x90000046  }
0xb1: {  	s29 =	simm.s32 $0x9;
	_ =	strace $0x80000048  }
0xb2: {  	_ =	swait.ge [sflag:s29], $0x1  }
0xb3: {  	[sflag:s29] =	ssyncadd.s32 $0xFFFFFFFF  }
0xb4: {  	_ =	strace $0x90000048  }
0xb5: {  	_ =	sfence  }
0xb6: {  	s30 =	sld [smem:$0x0];
	_ =	sdelay $0x2  }
0xb7: {  	s31 =	sshll.u32 s1, $0xD;
	s1 =	sshrl.u32 s1, $0x2  }
0xb8: {  	s3 =	sand.u32 $0x4000, s31;
	s1 =	sadd.s32 s1, s30  }
0xb9: {  	s0 =	sor.u32 s3, s0;
	s1 =	sshll.u32 s1, $0x11  }
0xba: {  	s0 =	sor.u32 s1, s0  }
0xbb: {  	s0 =	sadd.s32 $0x8F2B, s0  }
0xbc: {  	[sflag:s0] =	ssyncadd.remote.s32 $0x1  }
0xbd: {  	_ =	sfence.sel $0xFFFF  }
0xbe: {  	[dreg:$0x0] =	wrdreg $0xFFFFFFFF;
	(pc) =	sbr.abs _section_cstart, $3  }
0xbf: {  	[dreg:$0x1] =	wrdreg $0xFFFFFFFF  }
0xc0: {  	_ =	task.clear_ibuf [dreg:s6], $0x2FFFF;
	_ =	strace $0x9FFFFFFF  }
0xc1: {  	(tm) =	ssettm $0x7FFFFFFF  }
tec
execute0_lowered:
.L_overlay_start_1:
0x0: {  	(tag) =	ssettag $0x1  }
0x1: {  	s0 =	srdreg.scid  }
0x2: {  	s1 =	rddreg [dreg:$0x0];
	s4 =	stileid.u32  }
0x3: {  	s2 =	simm.s32 $0x0;
	s17 =	simm.s32 $0x1;
	s18 =	simm.s32 $0x3840  }
0x4: {  	s19 =	simm.s32 $0x3E80;
	s20 =	simm.s32 $0x44C0;
	s21 =	simm.s32 $0x4B00  }
0x5: {  	s22 =	simm.s32 $0x5140;
	s23 =	simm.s32 $0x5780;
	s0 =	sand.u32 $0x1, s0  }
0x6: {  	s24 =	simm.s32 $0x5DC0;
	s25 =	simm.s32 $0x6400;
	s3 =	sshll.u32 s0, $0x4  }
0x7: {  	s26 =	simm.s32 $0x9600;
	s0 =	ssub.s32 $0x2, s0;
	s3 =	sor.u32 s4, s3  }
0x8: {  	[smem:$0x7FF] =	sst s2;
	s6 =	sshrl.u32 s0, $0x1;
	s3 =	smul.u32 $0x640, s3  }
0x9: {  	s28 =	simm.s32 $0x0;
	_ =	strace $0x80000047;
	s0 =	ssub.s32 s0, s6  }
0xa: {  	s4 =	sadd.s32 $0x1AC00, s1;
	s15 =	smax.u32 s0, $0x1;
	s5 =	sshrl.u32 s3, $0x3  }
0xb: {  	s14 =	sadd.s32 s3, s1;
	s13 =	sadd.s32 s5, s1;
	s5 =	sadd.s32 $0x21000, s1  }
0xc: {  	s14 =	sadd.s32 $0xE400, s14;
	s6 =	sadd.s32 $0x1C00, s13;
	s7 =	sadd.s32 $0x3500, s13  }
0xd: {  	v1 =	vlaneseq.u32;
	s8 =	sadd.s32 $0x4E00, s13;
	s9 =	sadd.s32 $0x6700, s13;
	s10 =	sadd.s32 $0x8000, s13  }
0xe: {  	v0 =	vimm.s32 $0x0;
	v1 =	vmul.u32 $0x8, v1;
	s11 =	sadd.s32 $0x9900, s13;
	s12 =	sadd.s32 $0xB200, s13;
	s13 =	sadd.s32 $0xCB00, s13  }
.LBB2_1:
0xf: {  	s0 =	simm.s32 $0x3200  }
0x10: {  	[tilespmem:s0], [sflag:$0x1] =	stream.linear.gather [hbm4b:s6+s2], $0x640, $0x38;
	[tilespmem:$0x9C80] =	vst v63  }
0x11: {  	_ =	swait.ge [sflag:s17], $0x640  }
0x12: {  	[sflag:s17] =	ssyncset.done $0x0  }
0x13: {  	[sflag:s17] =	ssyncadd.s32 $0xFFFFF9C0  }
0x14: {  	[tilespmem:s18], [sflag:$0x1] =	stream.linear.gather [hbm4b:s7+s2], $0x640, $0x38;
	[tilespmem:$0x9C80] =	vst v63  }
0x15: {  	_ =	swait.ge [sflag:s17], $0x640  }
0x16: {  	[sflag:s17] =	ssyncset.done $0x0  }
0x17: {  	[sflag:s17] =	ssyncadd.s32 $0xFFFFF9C0  }
0x18: {  	[tilespmem:s19], [sflag:$0x1] =	stream.linear.gather [hbm4b:s8+s2], $0x640, $0x38;
	[tilespmem:$0x9C80] =	vst v63  }
0x19: {  	_ =	swait.ge [sflag:s17], $0x640  }
0x1a: {  	[sflag:s17] =	ssyncset.done $0x0  }
0x1b: {  	[sflag:s17] =	ssyncadd.s32 $0xFFFFF9C0  }
0x1c: {  	[tilespmem:s20], [sflag:$0x1] =	stream.linear.gather [hbm4b:s9+s2], $0x640, $0x38;
	[tilespmem:$0x9C80] =	vst v63  }
0x1d: {  	_ =	swait.ge [sflag:s17], $0x640  }
0x1e: {  	[sflag:s17] =	ssyncset.done $0x0  }
0x1f: {  	[sflag:s17] =	ssyncadd.s32 $0xFFFFF9C0  }
0x20: {  	[tilespmem:s21], [sflag:$0x1] =	stream.linear.gather [hbm4b:s10+s2], $0x640, $0x38;
	[tilespmem:$0x9C80] =	vst v63  }
0x21: {  	_ =	swait.ge [sflag:s17], $0x640  }
0x22: {  	[sflag:s17] =	ssyncset.done $0x0  }
0x23: {  	[sflag:s17] =	ssyncadd.s32 $0xFFFFF9C0  }
0x24: {  	[tilespmem:s22], [sflag:$0x1] =	stream.linear.gather [hbm4b:s11+s2], $0x640, $0x38;
	[tilespmem:$0x9C80] =	vst v63  }
0x25: {  	_ =	swait.ge [sflag:s17], $0x640  }
0x26: {  	[sflag:s17] =	ssyncset.done $0x0  }
0x27: {  	[sflag:s17] =	ssyncadd.s32 $0xFFFFF9C0  }
0x28: {  	[tilespmem:s23], [sflag:$0x1] =	stream.linear.gather [hbm4b:s12+s2], $0x640, $0x38;
	[tilespmem:$0x9C80] =	vst v63  }
0x29: {  	_ =	swait.ge [sflag:s17], $0x640  }
0x2a: {  	[sflag:s17] =	ssyncset.done $0x0  }
0x2b: {  	[sflag:s17] =	ssyncadd.s32 $0xFFFFF9C0  }
0x2c: {  	[tilespmem:s24], [sflag:$0x1] =	stream.linear.gather [hbm4b:s13+s2], $0x640, $0x38;
	[tilespmem:$0x9C80] =	vst v63  }
0x2d: {  	_ =	swait.ge [sflag:s17], $0x640  }
0x2e: {  	[sflag:s17] =	ssyncset.done $0x0  }
0x2f: {  	[sflag:s17] =	ssyncadd.s32 $0xFFFFF9C0  }
0x30: {  	[tilespmem:s25], [sflag:$0x1] =	stream.linear.gather [hbm4b:s14+s2], $0x3200, $0x38;
	[tilespmem:$0x9C80] =	vst v63  }
0x31: {  	_ =	swait.ge [sflag:s17], $0x3200  }
0x32: {  	[sflag:s17] =	ssyncset.done $0x0  }
0x33: {  	s29 =	simm.s32 $0x0;
	[sflag:s17] =	ssyncadd.s32 $0xFFFFCE00  }
.LBB2_2:
0x34: {  	s0 =	smul.u32 $0x640, s29;
	_ =	sdelay $0x1  }
0x35: {  	s1 =	simm.s32 $0x0;
	s0 =	sadd.s32 s4, s0  }
0x36: {  	[tilespmem:s1], [sflag:$0x1] =	stream.linear.gather [hbm4b:s0+s1], $0x3200, $0x38;
	[tilespmem:$0x9C80] =	vst v63  }
0x37: {  	_ =	swait.ge [sflag:s17], $0x3200  }
0x38: {  	[sflag:s17] =	ssyncset.done $0x0  }
0x39: {  	[sflag:s17] =	ssyncadd.s32 $0xFFFFCE00  }
0x3a: {  	s16 =	simm.s32 $0x5140;
	[tilespmem:$0x3100] =	vst v0  }
0x3b: {  	s30 =	sand.u32 $0x7F0, s1;
	v2 =	vld [tilespmem:s16+$0xC80]  }
0x3c: {  	v27 =	vld [tilespmem:s30+$0x4B00]  }
0x3d: {  	v39 =	vld [tilespmem:s16+$0xFFFFE0C0]  }
0x3e: {  	v47 =	vld [tilespmem:s16+$0xFFFFE700];
	_ =	sdelay $0x1  }
0x3f: {  	v3 =	vshra.s32 v2, $0x2  }
0x40: {  	v28 =	vshra.s32 v27, $0x2  }
0x41: {  	v4 =	vld [tilespmem:s30+$0x5780];
	v45 =	vshra.s32 v39, $0x2  }
0x42: {  	v12 =	vld [tilespmem:s16+$0x0];
	v52 =	vshra.s32 v47, $0x2  }
0x43: {  	v20 =	vld [tilespmem:s30+$0x3E80]  }
0x44: {  	v3 =	vld.idx.msk [tilespmem:v3+s2+$0x0], $0xffff  }
0x45: {  	v28 =	vld.idx.msk [tilespmem:v28+s2+$0x0], $0xffff  }
0x46: {  	v45 =	vld.idx.msk [tilespmem:v45+s2+$0x0], $0xffff  }
0x47: {  	v10 =	vor.u32 s1, v1;
	v5 =	vshra.s32 v4, $0x2;
	v2 =	vshll.u32 v2, $0x3;
	v62 =	vld.idx.msk [tilespmem:v52+s2+$0x0], $0xffff  }
0x48: {  	v11 =	vshra.s32 v12, $0x2;
	v19 =	vshra.s32 v20, $0x2;
	v18 =	vshll.u32 v12, $0x3  }
0x49: {  	v20 =	vshll.u32 v20, $0x3;
	v27 =	vshll.u32 v27, $0x3;
	v39 =	vshll.u32 v39, $0x3  }
0x4a: {  	v47 =	vshll.u32 v47, $0x3;
	v2 =	vand.u32 $0x18, v2;
	v27 =	vand.u32 $0x18, v27  }
0x4b: {  	v39 =	vand.u32 $0x18, v39;
	v47 =	vand.u32 $0x18, v47;
	v3 =	vshra.s32 v3, v2  }
0x4c: {  	v27 =	vshra.s32 v28, v27;
	v39 =	vshra.s32 v45, v39;
	v45 =	vshra.s32 v62, v47  }
0x4d: {  	v7 =	vld.idx.msk [tilespmem:v5+s2+$0x0], $0xffff;
	v6 =	vshrl.u32 v3, $0x7;
	v5 =	vshrl.u32 v3, $0x5;
	v8 =	vshrl.u32 v3, $0x6  }
0x4e: {  	v2 =	vand.u32 $0x1, v3;
	v9 =	vshrl.u32 v3, $0x3;
	v13 =	vshrl.u32 v3, $0x4  }
0x4f: {  	v14 =	vshrl.u32 v3, $0x1;
	v15 =	vshrl.u32 v3, $0x2;
	v59 =	vshrl.u32 v27, $0x2  }
0x50: {  	v40 =	vshrl.u32 v27, $0x3;
	v41 =	vshrl.u32 v27, $0x4;
	v42 =	vshll.u32 v27, $0x3  }
0x51: {  	v43 =	vand.u32 $0x8, v27;
	v44 =	vshrl.u32 v27, $0x1;
	v46 =	vshll.u32 v27, $0x2  }
0x52: {  	v27 =	vshll.u32 v27, $0x1;
	v63 =	vshll.u32 v39, $0x1;
	v57 =	vshll.u32 v39, $0x4  }
0x53: {  	v58 =	vshll.u32 v39, $0x3;
	v55 =	vshll.u32 v39, $0x6;
	v56 =	vshrl.u32 v45, $0x1  }
0x54: {  	v3 =	vand.u32 $0x1, v6;
	v6 =	vshll.u32 v4, $0x3;
	v4 =	vand.u32 $0x1, v5  }
0x55: {  	v5 =	vand.u32 $0x1, v8;
	v8 =	vand.u32 $0x1, v9;
	v9 =	vand.u32 $0x1, v13  }
0x56: {  	v40 =	vand.u32 $0x8, v40;
	v41 =	vand.u32 $0x8, v41;
	v44 =	vand.u32 $0x8, v44  }
0x57: {  	v27 =	vand.u32 $0x8, v27;
	v56 =	vand.u32 $0x40, v56;
	v6 =	vand.u32 $0x18, v6  }
0x58: {  	v13 =	vshra.s32 v7, v6;
	v6 =	vand.u32 $0x1, v14;
	v7 =	vand.u32 $0x1, v15;
	v14 =	vld.idx.msk [tilespmem:v11+s2+$0x0], $0xffff  }
0x59: {  	v15 =	vshrl.u32 v13, $0x5;
	v16 =	vshrl.u32 v13, $0x6;
	v21 =	vshrl.u32 v13, $0x2  }
0x5a: {  	v17 =	vshrl.u32 v13, $0x3;
	v22 =	vshrl.u32 v13, $0x4;
	v23 =	vshll.u32 v13, $0x1  }
0x5b: {  	v11 =	vand.u32 $0x2, v13;
	v24 =	vshrl.u32 v13, $0x1;
	v12 =	vand.u32 $0x2, v15  }
0x5c: {  	v13 =	vand.u32 $0x2, v16;
	v15 =	vand.u32 $0x18, v18;
	v18 =	vand.u32 $0x2, v17  }
0x5d: {  	v29 =	vld [tilespmem:s16+$0xFFFFF380];
	v17 =	vand.u32 $0x2, v22;
	v16 =	vand.u32 $0x2, v21;
	v22 =	vshra.s32 v14, v15  }
0x5e: {  	v15 =	vand.u32 $0x2, v23;
	v14 =	vand.u32 $0x2, v24;
	v24 =	vshrl.u32 v22, $0x4  }
0x5f: {  	v23 =	vld.idx.msk [tilespmem:v19+s2+$0x0], $0xffff;
	v21 =	vshrl.u32 v22, $0x5;
	v26 =	vshrl.u32 v22, $0x2;
	v25 =	vshrl.u32 v22, $0x3  }
0x60: {  	v30 =	vshll.u32 v22, $0x2;
	v19 =	vand.u32 $0x4, v22;
	v31 =	vshrl.u32 v22, $0x1  }
0x61: {  	v32 =	vshll.u32 v22, $0x1;
	v22 =	vand.u32 $0x18, v20;
	v20 =	vand.u32 $0x4, v25  }
0x62: {  	v25 =	vand.u32 $0x4, v24;
	v24 =	vand.u32 $0x4, v31;
	v31 =	vshra.s32 v29, $0x2  }
0x63: {  	v21 =	vand.u32 $0x4, v21;
	v26 =	vand.u32 $0x4, v26;
	v29 =	vshll.u32 v29, $0x3  }
0x64: {  	v29 =	vand.u32 $0x18, v29;
	v33 =	vshra.s32 v23, v22;
	v22 =	vand.u32 $0x4, v30  }
0x65: {  	v23 =	vand.u32 $0x4, v32;
	v30 =	vshrl.u32 v33, $0x2;
	v32 =	vand.u32 $0x20, v33  }
0x66: {  	v34 =	vshrl.u32 v33, $0x1;
	v35 =	vshll.u32 v33, $0x5;
	v36 =	vshll.u32 v33, $0x2  }
0x67: {  	v37 =	vshll.u32 v33, $0x1;
	v38 =	vshll.u32 v33, $0x4;
	v33 =	vshll.u32 v33, $0x3;
	v31 =	vld.idx.msk [tilespmem:v31+s2+$0x0], $0xffff  }
0x68: {  	v28 =	vand.u32 $0x20, v38;
	v38 =	vand.u32 $0x8, v59;
	v59 =	vshll.u32 v39, $0x2  }
0x69: {  	v30 =	vand.u32 $0x20, v30;
	v52 =	vand.u32 $0x80, v59;
	v59 =	vshll.u32 v45, $0x1  }
0x6a: {  	v37 =	vand.u32 $0x20, v37;
	v34 =	vand.u32 $0x20, v34;
	v59 =	vand.u32 $0x40, v59  }
0x6b: {  	v35 =	vand.u32 $0x20, v35;
	v36 =	vand.u32 $0x20, v36;
	v52 =	vor.u32 v52, v59  }
0x6c: {  	v33 =	vand.u32 $0x20, v33;
	v32 =	vor.u32 v32, v52;
	v29 =	vshra.s32 v31, v29  }
0x6d: {  	v31 =	vand.u32 $0x8, v42;
	v42 =	vand.u32 $0x8, v46;
	v32 =	vshrl.u32 v32, $0x5  }
0x6e: {  	v60 =	vshrl.u32 v29, $0x2;
	v48 =	vshrl.u32 v29, $0x3;
	v49 =	vshll.u32 v29, $0x1  }
0x6f: {  	v50 =	vand.u32 $0x10, v29;
	v51 =	vshrl.u32 v29, $0x1;
	v53 =	vshll.u32 v29, $0x4  }
0x70: {  	v54 =	vshll.u32 v29, $0x2;
	v29 =	vshll.u32 v29, $0x3;
	v32 =	vor.u32 v32, v10  }
0x71: {  	v46 =	vand.u32 $0x10, v60;
	v48 =	vand.u32 $0x10, v48;
	v49 =	vand.u32 $0x10, v49  }
0x72: {  	v44 =	vor.u32 v50, v44;
	v61 =	vand.u32 $0x10, v51;
	v51 =	vand.u32 $0x10, v53  }
0x73: {  	v53 =	vand.u32 $0x10, v54;
	v29 =	vand.u32 $0x10, v29;
	v60 =	vshll.u32 v39, $0x7  }
0x74: {  	v50 =	vand.u32 $0x80, v58;
	v54 =	vand.u32 $0x80, v55;
	v55 =	vand.u32 $0x40, v45  }
0x75: {  	v58 =	vshll.u32 v45, $0x2;
	v41 =	vor.u32 v48, v41;
	v38 =	vor.u32 v61, v38  }
0x76: {  	v40 =	vor.u32 v46, v40;
	v43 =	vor.u32 v49, v43;
	v48 =	vand.u32 $0x80, v39  }
0x77: {  	v39 =	vshll.u32 v39, $0x5;
	v46 =	vand.u32 $0x80, v63;
	v49 =	vand.u32 $0x80, v57  }
0x78: {  	v47 =	vand.u32 $0x80, v60;
	v57 =	vshll.u32 v45, $0x3;
	v60 =	vshll.u32 v45, $0x6  }
0x79: {  	v61 =	vshll.u32 v45, $0x5;
	v45 =	vshll.u32 v45, $0x4;
	v58 =	vand.u32 $0x40, v58  }
0x7a: {  	v26 =	vor.u32 v26, v44;
	v31 =	vor.u32 v51, v31;
	v27 =	vor.u32 v53, v27  }
0x7b: {  	v29 =	vor.u32 v29, v42;
	v39 =	vand.u32 $0x80, v39;
	v60 =	vand.u32 $0x40, v60  }
0x7c: {  	v45 =	vand.u32 $0x40, v45;
	v57 =	vand.u32 $0x40, v57;
	v61 =	vand.u32 $0x40, v61  }
0x7d: {  	v46 =	vor.u32 v46, v55;
	v48 =	vor.u32 v48, v56;
	v50 =	vor.u32 v50, v58  }
0x7e: {  	v25 =	vor.u32 v25, v40;
	v21 =	vor.u32 v21, v41;
	v49 =	vor.u32 v49, v57  }
0x7f: {  	v47 =	vor.u32 v47, v60;
	v39 =	vor.u32 v39, v45;
	v30 =	vor.u32 v30, v48  }
0x80: {  	v61 =	vor.u32 v54, v61;
	v34 =	vor.u32 v34, v46;
	v37 =	vor.u32 v37, v50  }
0x81: {  	v30 =	vshrl.u32 v30, $0x5;
	v36 =	vor.u32 v36, v49;
	v37 =	vshrl.u32 v37, $0x5  }
0x82: {  	v35 =	vor.u32 v35, v47;
	v36 =	vshrl.u32 v36, $0x5;
	v37 =	vor.u32 v37, v10  }
0x83: {  	v28 =	vor.u32 v28, v61;
	v35 =	vshrl.u32 v35, $0x5;
	v36 =	vor.u32 v36, v10  }
0x84: {  	v33 =	vor.u32 v33, v39;
	v28 =	vshrl.u32 v28, $0x5;
	v35 =	vor.u32 v35, v10  }
0x85: {  	v34 =	vshrl.u32 v34, $0x5;
	v33 =	vshrl.u32 v33, $0x5;
	v28 =	vor.u32 v28, v10  }
0x86: {  	v32 =	vld.idx.msk [tilespmem:v32+s25+$0x0], $0xffff;
	v30 =	vor.u32 v30, v10;
	v34 =	vor.u32 v34, v10;
	v10 =	vor.u32 v33, v10  }
0x87: {  	v24 =	vor.u32 v24, v43;
	v18 =	vor.u32 v18, v26;
	v20 =	vor.u32 v20, v38;
	v62 =	vld.idx.msk [tilespmem:v37+s25+$0x0], $0xffff  }
0x88: {  	v22 =	vor.u32 v22, v31;
	v23 =	vor.u32 v23, v29;
	v19 =	vor.u32 v19, v27;
	v26 =	vld.idx.msk [tilespmem:v36+s25+$0x0], $0xffff  }
0x89: {  	v17 =	vor.u32 v17, v20;
	v12 =	vor.u32 v12, v25;
	v13 =	vor.u32 v13, v21;
	v27 =	vld.idx.msk [tilespmem:v35+s25+$0x0], $0xffff  }
0x8a: {  	v15 =	vor.u32 v15, v22;
	v16 =	vor.u32 v16, v24;
	v9 =	vor.u32 v9, v18;
	v20 =	vld.idx.msk [tilespmem:v28+s25+$0x0], $0xffff  }
0x8b: {  	v11 =	vor.u32 v11, v23;
	v14 =	vor.u32 v14, v19;
	v4 =	vor.u32 v4, v17;
	v10 =	vld.idx.msk [tilespmem:v10+s25+$0x0], $0xffff  }
0x8c: {  	v3 =	vor.u32 v3, v13;
	v8 =	vor.u32 v8, v16;
	v4 =	vshrl.u32 v32, v4  }
0x8d: {  	v5 =	vor.u32 v5, v12;
	v2 =	vor.u32 v2, v15;
	v4 =	vshll.u32 v4, $0x5  }
0x8e: {  	v6 =	vor.u32 v6, v11;
	v7 =	vor.u32 v7, v14;
	v4 =	vand.u32 $0x20, v4  }
0x8f: {  	v34 =	vld.idx.msk [tilespmem:v34+s25+$0x0], $0xffff;
	v9 =	vshrl.u32 v62, v9;
	v6 =	vshrl.u32 v20, v6;
	v8 =	vshrl.u32 v26, v8  }
0x90: {  	v30 =	vld.idx.msk [tilespmem:v30+s25+$0x0], $0xffff;
	v2 =	vshrl.u32 v27, v2;
	v7 =	vshrl.u32 v10, v7;
	v6 =	vshll.u32 v6, $0x1  }
0x91: {  	v2 =	vand.u32 $0x1, v2;
	v7 =	vshll.u32 v7, $0x2;
	v6 =	vand.u32 $0x2, v6  }
0x92: {  	v2 =	vor.u32 v2, v6;
	v6 =	vand.u32 $0x4, v7;
	v7 =	vshll.u32 v8, $0x3  }
0x93: {  	v2 =	vor.u32 v6, v2;
	v6 =	vand.u32 $0x8, v7;
	v7 =	vshll.u32 v9, $0x4  }
0x94: {  	v5 =	vshrl.u32 v34, v5;
	v2 =	vor.u32 v6, v2;
	v6 =	vand.u32 $0x10, v7  }
0x95: {  	v3 =	vshrl.u32 v30, v3;
	v5 =	vshll.u32 v5, $0x6;
	v2 =	vor.u32 v6, v2  }
0x96: {  	v3 =	vshll.u32 v3, $0x7;
	v2 =	vor.u32 v4, v2;
	v4 =	vand.u32 $0x40, v5  }
0x97: {  	v3 =	vand.u32 $0x80, v3;
	v2 =	vor.u32 v4, v2  }
0x98: {  	s30 =	simm.s32 $0x9600;
	v2 =	vor.u32 v3, v2  }
0x99: {  	s31 =	simm.s32 $0x5150;
	s1 =	simm.s32 $0x10;
	[tilespmem:s30+$0x0] =	vst v2  }
0x9a: {  	s16 =	sand.u32 $0x7F0, s1;
	v2 =	vld [tilespmem:s31+$0xC80]  }
0x9b: {  	v28 =	vld [tilespmem:s16+$0x4B00]  }
0x9c: {  	v63 =	vld [tilespmem:s31+$0xFFFFF380];
	_ =	sdelay $0x2  }
0x9d: {  	v3 =	vshra.s32 v2, $0x2  }
0x9e: {  	v4 =	vld [tilespmem:s16+$0x5780];
	v27 =	vshra.s32 v28, $0x2  }
0x9f: {  	v12 =	vld [tilespmem:s31+$0x0];
	v47 =	vshra.s32 v63, $0x2  }
0xa0: {  	v20 =	vld [tilespmem:s16+$0x3E80]  }
0xa1: {  	v42 =	vld [tilespmem:s31+$0xFFFFE0C0]  }
0xa2: {  	v3 =	vld.idx.msk [tilespmem:v3+s2+$0x0], $0xffff  }
0xa3: {  	s0 =	simm.s32 $0x80;
	v46 =	vld.idx.msk [tilespmem:v27+s2+$0x0], $0xffff  }
0xa4: {  	v10 =	vor.u32 s0, v1;
	v37 =	vld.idx.msk [tilespmem:v47+s2+$0x0], $0xffff  }
0xa5: {  	v5 =	vshra.s32 v4, $0x2;
	v2 =	vshll.u32 v2, $0x3;
	v11 =	vshra.s32 v12, $0x2  }
0xa6: {  	v19 =	vshra.s32 v20, $0x2;
	v18 =	vshll.u32 v12, $0x3;
	v20 =	vshll.u32 v20, $0x3  }
0xa7: {  	v28 =	vshll.u32 v28, $0x3;
	v57 =	vshra.s32 v42, $0x2;
	v34 =	vshll.u32 v63, $0x3  }
0xa8: {  	v2 =	vand.u32 $0x18, v2;
	v28 =	vand.u32 $0x18, v28;
	v34 =	vand.u32 $0x18, v34  }
0xa9: {  	v3 =	vshra.s32 v3, v2;
	v36 =	vshra.s32 v46, v28;
	v60 =	vshra.s32 v37, v34  }
0xaa: {  	v7 =	vld.idx.msk [tilespmem:v5+s2+$0x0], $0xffff;
	v6 =	vshrl.u32 v3, $0x7;
	v5 =	vshrl.u32 v3, $0x5;
	v8 =	vshrl.u32 v3, $0x6  }
0xab: {  	v2 =	vand.u32 $0x1, v3;
	v9 =	vshrl.u32 v3, $0x3;
	v13 =	vshrl.u32 v3, $0x4  }
0xac: {  	v14 =	vshrl.u32 v3, $0x1;
	v15 =	vshrl.u32 v3, $0x2;
	v52 =	vshrl.u32 v36, $0x2  }
0xad: {  	v53 =	vshrl.u32 v36, $0x3;
	v54 =	vshrl.u32 v36, $0x4;
	v55 =	vshll.u32 v36, $0x3  }
0xae: {  	v46 =	vand.u32 $0x8, v36;
	v56 =	vshrl.u32 v36, $0x1;
	v58 =	vshll.u32 v36, $0x2  }
0xaf: {  	v59 =	vshll.u32 v36, $0x1;
	v61 =	vshrl.u32 v60, $0x2;
	v47 =	vshrl.u32 v60, $0x3  }
0xb0: {  	v62 =	vshrl.u32 v60, $0x1;
	v63 =	vshll.u32 v60, $0x2;
	v3 =	vand.u32 $0x1, v6  }
0xb1: {  	v6 =	vshll.u32 v4, $0x3;
	v4 =	vand.u32 $0x1, v5;
	v5 =	vand.u32 $0x1, v8  }
0xb2: {  	v8 =	vand.u32 $0x1, v9;
	v9 =	vand.u32 $0x1, v13;
	v39 =	vand.u32 $0x8, v54  }
0xb3: {  	v40 =	vand.u32 $0x8, v56;
	v38 =	vand.u32 $0x8, v52;
	v6 =	vand.u32 $0x18, v6  }
0xb4: {  	v36 =	vand.u32 $0x8, v55;
	v37 =	vand.u32 $0x8, v59;
	v13 =	vshra.s32 v7, v6  }
0xb5: {  	v6 =	vand.u32 $0x1, v14;
	v7 =	vand.u32 $0x1, v15;
	v14 =	vld.idx.msk [tilespmem:v11+s2+$0x0], $0xffff;
	v15 =	vshrl.u32 v13, $0x5  }
0xb6: {  	v16 =	vshrl.u32 v13, $0x6;
	v21 =	vshrl.u32 v13, $0x2;
	v17 =	vshrl.u32 v13, $0x3  }
0xb7: {  	v22 =	vshrl.u32 v13, $0x4;
	v23 =	vshll.u32 v13, $0x1;
	v11 =	vand.u32 $0x2, v13  }
0xb8: {  	v24 =	vshrl.u32 v13, $0x1;
	v12 =	vand.u32 $0x2, v15;
	v13 =	vand.u32 $0x2, v16  }
0xb9: {  	v15 =	vand.u32 $0x18, v18;
	v18 =	vand.u32 $0x2, v17;
	v17 =	vand.u32 $0x2, v22  }
0xba: {  	v16 =	vand.u32 $0x2, v23;
	v23 =	vld.idx.msk [tilespmem:v19+s2+$0x0], $0xffff;
	v22 =	vshra.s32 v14, v15;
	v15 =	vand.u32 $0x2, v21  }
0xbb: {  	v14 =	vand.u32 $0x2, v24;
	v24 =	vshrl.u32 v22, $0x4;
	v21 =	vshrl.u32 v22, $0x5  }
0xbc: {  	v26 =	vshrl.u32 v22, $0x2;
	v25 =	vshrl.u32 v22, $0x3;
	v29 =	vshll.u32 v22, $0x2  }
0xbd: {  	v19 =	vand.u32 $0x4, v22;
	v30 =	vshrl.u32 v22, $0x1;
	v31 =	vshll.u32 v22, $0x1  }
0xbe: {  	v22 =	vand.u32 $0x18, v20;
	v20 =	vand.u32 $0x4, v25;
	v25 =	vand.u32 $0x4, v24  }
0xbf: {  	v45 =	vshra.s32 v23, v22;
	v24 =	vand.u32 $0x4, v30;
	v22 =	vand.u32 $0x4, v29  }
0xc0: {  	v23 =	vand.u32 $0x4, v31;
	v29 =	vshrl.u32 v45, $0x2;
	v27 =	vand.u32 $0x20, v45  }
0xc1: {  	v30 =	vshrl.u32 v45, $0x1;
	v48 =	vshll.u32 v45, $0x5;
	v49 =	vshll.u32 v45, $0x2  }
0xc2: {  	v31 =	vshll.u32 v45, $0x1;
	v50 =	vshll.u32 v45, $0x4;
	v51 =	vshll.u32 v45, $0x3;
	v45 =	vld [tilespmem:s31+$0xFFFFE700]  }
0xc3: {  	v34 =	vand.u32 $0x8, v58;
	v61 =	vand.u32 $0x10, v61;
	v47 =	vand.u32 $0x10, v47  }
0xc4: {  	v43 =	vand.u32 $0x10, v63;
	v39 =	vor.u32 v47, v39;
	v21 =	vand.u32 $0x4, v21  }
0xc5: {  	v26 =	vand.u32 $0x4, v26;
	v33 =	vand.u32 $0x20, v29;
	v31 =	vand.u32 $0x20, v31  }
0xc6: {  	v35 =	vand.u32 $0x20, v30;
	v30 =	vand.u32 $0x20, v48;
	v32 =	vand.u32 $0x20, v49  }
0xc7: {  	v44 =	vld.idx.msk [tilespmem:v57+s2+$0x0], $0xffff;
	v29 =	vand.u32 $0x20, v50;
	v28 =	vand.u32 $0x20, v51;
	v52 =	vshra.s32 v45, $0x2  }
0xc8: {  	v50 =	vand.u32 $0x8, v53;
	v48 =	vshll.u32 v60, $0x1;
	v49 =	vand.u32 $0x10, v60  }
0xc9: {  	v53 =	vshll.u32 v60, $0x4;
	v60 =	vshll.u32 v60, $0x3;
	v51 =	vand.u32 $0x10, v62  }
0xca: {  	v62 =	vshll.u32 v42, $0x3;
	v48 =	vand.u32 $0x10, v48;
	v40 =	vor.u32 v49, v40  }
0xcb: {  	v42 =	vand.u32 $0x10, v53;
	v63 =	vand.u32 $0x18, v62;
	v41 =	vand.u32 $0x10, v60  }
0xcc: {  	s1 =	simm.s32 $0x20;
	v38 =	vor.u32 v51, v38;
	v49 =	vshra.s32 v44, v63;
	v44 =	vor.u32 v61, v50;
	v47 =	vld.idx.msk [tilespmem:v52+s2+$0x0], $0xffff  }
.LBB2_3:
0xcd: {  	p0 =	sne.s32 s1, $0x630;
	v46 =	vor.u32 v48, v46;
	v48 =	vshll.u32 v49, $0x1;
	v50 =	vand.u32 $0x80, v49  }
0xce: {  	v51 =	vshll.u32 v49, $0x4;
	v52 =	vshll.u32 v49, $0x3;
	v53 =	vshll.u32 v49, $0x2  }
0xcf: {  	v54 =	vshll.u32 v49, $0x7;
	v55 =	vshll.u32 v49, $0x6;
	v49 =	vshll.u32 v49, $0x5  }
0xd0: {  	v45 =	vshll.u32 v45, $0x3;
	v53 =	vand.u32 $0x80, v53;
	v48 =	vand.u32 $0x80, v48  }
0xd1: {  	v45 =	vand.u32 $0x18, v45;
	v51 =	vand.u32 $0x80, v51;
	v52 =	vand.u32 $0x80, v52  }
0xd2: {  	v49 =	vand.u32 $0x80, v49;
	v45 =	vshra.s32 v47, v45;
	v47 =	vand.u32 $0x80, v54  }
0xd3: {  	v54 =	vand.u32 $0x80, v55;
	v55 =	vand.u32 $0x40, v45;
	v56 =	vshrl.u32 v45, $0x1  }
0xd4: {  	v57 =	vshll.u32 v45, $0x3;
	v58 =	vshll.u32 v45, $0x2;
	v59 =	vshll.u32 v45, $0x1  }
0xd5: {  	v60 =	vshll.u32 v45, $0x6;
	v61 =	vshll.u32 v45, $0x5;
	v45 =	vshll.u32 v45, $0x4  }
0xd6: {  	v58 =	vand.u32 $0x40, v58;
	v59 =	vand.u32 $0x40, v59;
	v56 =	vand.u32 $0x40, v56  }
0xd7: {  	v60 =	vand.u32 $0x40, v60;
	v45 =	vand.u32 $0x40, v45;
	v57 =	vand.u32 $0x40, v57  }
0xd8: {  	v61 =	vand.u32 $0x40, v61;
	v48 =	vor.u32 v48, v55;
	v50 =	vor.u32 v50, v56  }
0xd9: {  	v51 =	vor.u32 v51, v57;
	v52 =	vor.u32 v52, v58;
	v53 =	vor.u32 v53, v59  }
0xda: {  	v47 =	vor.u32 v47, v60;
	v45 =	vor.u32 v49, v45;
	v33 =	vor.u32 v33, v50  }
0xdb: {  	v49 =	vor.u32 v54, v61;
	v35 =	vor.u32 v35, v48;
	v33 =	vshrl.u32 v33, $0x5  }
0xdc: {  	v27 =	vor.u32 v27, v53;
	v35 =	vshrl.u32 v35, $0x5;
	v33 =	vor.u32 v33, v10  }
0xdd: {  	v31 =	vor.u32 v31, v52;
	v27 =	vshrl.u32 v27, $0x5;
	v35 =	vor.u32 v35, v10  }
0xde: {  	v32 =	vor.u32 v32, v51;
	v31 =	vshrl.u32 v31, $0x5;
	v27 =	vor.u32 v27, v10  }
0xdf: {  	v30 =	vor.u32 v30, v47;
	v32 =	vshrl.u32 v32, $0x5;
	v31 =	vor.u32 v31, v10  }
0xe0: {  	v29 =	vor.u32 v29, v49;
	v30 =	vshrl.u32 v30, $0x5;
	v32 =	vor.u32 v32, v10  }
0xe1: {  	v28 =	vor.u32 v28, v45;
	v29 =	vshrl.u32 v29, $0x5;
	v30 =	vor.u32 v30, v10;
	v33 =	vld.idx.msk [tilespmem:v33+s25+$0x0], $0xffff  }
0xe2: {  	v26 =	vor.u32 v26, v40;
	v28 =	vshrl.u32 v28, $0x5;
	v29 =	vor.u32 v29, v10;
	v35 =	vld.idx.msk [tilespmem:v35+s25+$0x0], $0xffff  }
0xe3: {  	v36 =	vor.u32 v42, v36;
	v37 =	vor.u32 v43, v37;
	v10 =	vor.u32 v28, v10;
	v27 =	vld.idx.msk [tilespmem:v27+s25+$0x0], $0xffff  }
0xe4: {  	v25 =	vor.u32 v25, v44;
	v21 =	vor.u32 v21, v39;
	v28 =	vor.u32 v41, v34;
	v31 =	vld.idx.msk [tilespmem:v31+s25+$0x0], $0xffff  }
0xe5: {  	v20 =	vor.u32 v20, v38;
	v24 =	vor.u32 v24, v46;
	v18 =	vor.u32 v18, v26;
	v32 =	vld.idx.msk [tilespmem:v32+s25+$0x0], $0xffff  }
0xe6: {  	v22 =	vor.u32 v22, v36;
	v19 =	vor.u32 v19, v37;
	v23 =	vor.u32 v23, v28;
	v26 =	vld.idx.msk [tilespmem:v30+s25+$0x0], $0xffff  }
0xe7: {  	v17 =	vor.u32 v17, v20;
	v12 =	vor.u32 v12, v25;
	v13 =	vor.u32 v13, v21;
	v28 =	vld.idx.msk [tilespmem:v29+s25+$0x0], $0xffff  }
0xe8: {  	v16 =	vor.u32 v16, v22;
	v15 =	vor.u32 v15, v24;
	v9 =	vor.u32 v9, v18;
	v10 =	vld.idx.msk [tilespmem:v10+s25+$0x0], $0xffff  }
0xe9: {  	v14 =	vor.u32 v14, v19;
	v3 =	vor.u32 v3, v13;
	v11 =	vor.u32 v11, v23  }
0xea: {  	v4 =	vor.u32 v4, v17;
	v5 =	vor.u32 v5, v12;
	v8 =	vor.u32 v8, v15  }
0xeb: {  	v2 =	vor.u32 v2, v16;
	v7 =	vor.u32 v7, v14;
	v6 =	vor.u32 v6, v11  }
0xec: {  	v3 =	vshrl.u32 v33, v3;
	v5 =	vshrl.u32 v35, v5;
	v4 =	vshrl.u32 v27, v4  }
0xed: {  	v9 =	vshrl.u32 v31, v9;
	v8 =	vshrl.u32 v32, v8;
	v6 =	vshrl.u32 v28, v6  }
0xee: {  	v2 =	vshrl.u32 v26, v2;
	v6 =	vshll.u32 v6, $0x1;
	v7 =	vshrl.u32 v10, v7  }
0xef: {  	v2 =	vand.u32 $0x1, v2;
	v6 =	vand.u32 $0x2, v6;
	v7 =	vshll.u32 v7, $0x2  }
0xf0: {  	v2 =	vor.u32 v2, v6;
	v6 =	vand.u32 $0x4, v7;
	v7 =	vshll.u32 v8, $0x3  }
0xf1: {  	v2 =	vor.u32 v6, v2;
	v6 =	vand.u32 $0x8, v7;
	v7 =	vshll.u32 v9, $0x4  }
0xf2: {  	v4 =	vshll.u32 v4, $0x5;
	v2 =	vor.u32 v6, v2;
	v6 =	vand.u32 $0x10, v7  }
0xf3: {  	v5 =	vshll.u32 v5, $0x6;
	v4 =	vand.u32 $0x20, v4;
	v2 =	vor.u32 v6, v2  }
0xf4: {  	v3 =	vshll.u32 v3, $0x7;
	v2 =	vor.u32 v4, v2;
	v4 =	vand.u32 $0x40, v5  }
0xf5: {  	v3 =	vand.u32 $0x80, v3;
	v2 =	vor.u32 v4, v2  }
0xf6: {  	s30 =	sadd.s32 $0x10, s30;
	v2 =	vor.u32 v3, v2  }
0xf7: {  	s31 =	sadd.s32 $0x10, s31;
	[tilespmem:s30+$0x0] =	vst v2  }
0xf8: {  	v2 =	vld [tilespmem:s31+$0xC80];
	_ =	sdelay $0x4  }
0xf9: {  	v3 =	vshra.s32 v2, $0x2  }
0xfa: {  	s16 =	sand.u32 $0x7F0, s1  }
0xfb: {  	v4 =	vld [tilespmem:s16+$0x5780];
	_ =	sdelay $0x2  }
0xfc: {  	v3 =	vld.idx.msk [tilespmem:v3+s2+$0x0], $0xffff;
	_ =	sdelay $0x1  }
0xfd: {  	v5 =	vshra.s32 v4, $0x2  }
0xfe: {  	v12 =	vld [tilespmem:s31+$0x0]  }
0xff: {  	v2 =	vshll.u32 v2, $0x3  }
0x100: {  	v2 =	vand.u32 $0x18, v2  }
0x101: {  	s0 =	sadd.s32 $0x80, s0;
	v3 =	vshra.s32 v3, v2  }
0x102: {  	v10 =	vor.u32 s0, v1;
	v6 =	vld.idx.msk [tilespmem:v5+s2+$0x0], $0xffff;
	v5 =	vshrl.u32 v3, $0x7  }
0x103: {  	v8 =	vshrl.u32 v3, $0x5;
	v9 =	vshrl.u32 v3, $0x6;
	v7 =	vshra.s32 v12, $0x2  }
0x104: {  	v2 =	vand.u32 $0x1, v3;
	v11 =	vshrl.u32 v3, $0x3;
	v13 =	vshrl.u32 v3, $0x4;
	v20 =	vld [tilespmem:s16+$0x3E80]  }
0x105: {  	v14 =	vshrl.u32 v3, $0x1;
	v15 =	vshrl.u32 v3, $0x2;
	v3 =	vand.u32 $0x1, v5  }
0x106: {  	v16 =	vshll.u32 v4, $0x3;
	v4 =	vand.u32 $0x1, v8;
	v5 =	vand.u32 $0x1, v9  }
0x107: {  	v16 =	vand.u32 $0x18, v16;
	v8 =	vand.u32 $0x1, v11;
	v9 =	vand.u32 $0x1, v13  }
0x108: {  	v13 =	vshra.s32 v6, v16;
	v6 =	vand.u32 $0x1, v14;
	v19 =	vld.idx.msk [tilespmem:v7+s2+$0x0], $0xffff;
	v7 =	vand.u32 $0x1, v15  }
0x109: {  	v15 =	vshrl.u32 v13, $0x5;
	v16 =	vshrl.u32 v13, $0x6;
	v14 =	vshra.s32 v20, $0x2  }
0x10a: {  	v21 =	vshrl.u32 v13, $0x2;
	v17 =	vshrl.u32 v13, $0x3;
	v22 =	vshrl.u32 v13, $0x4  }
0x10b: {  	v23 =	vshll.u32 v13, $0x1;
	v11 =	vand.u32 $0x2, v13;
	v24 =	vshrl.u32 v13, $0x1;
	v28 =	vld [tilespmem:s16+$0x4B00]  }
0x10c: {  	v18 =	vshll.u32 v12, $0x3;
	v12 =	vand.u32 $0x2, v15;
	v13 =	vand.u32 $0x2, v16  }
0x10d: {  	v15 =	vand.u32 $0x18, v18;
	v18 =	vand.u32 $0x2, v17;
	v17 =	vand.u32 $0x2, v22  }
0x10e: {  	v16 =	vand.u32 $0x2, v23;
	v25 =	vshra.s32 v19, v15;
	v15 =	vand.u32 $0x2, v21;
	v22 =	vld.idx.msk [tilespmem:v14+s2+$0x0], $0xffff  }
0x10f: {  	v14 =	vand.u32 $0x2, v24;
	v23 =	vshrl.u32 v25, $0x4;
	v21 =	vshrl.u32 v25, $0x5  }
0x110: {  	v26 =	vshrl.u32 v25, $0x2;
	v24 =	vshrl.u32 v25, $0x3;
	v27 =	vshra.s32 v28, $0x2  }
0x111: {  	v29 =	vshll.u32 v25, $0x2;
	v19 =	vand.u32 $0x4, v25;
	v30 =	vshrl.u32 v25, $0x1;
	v34 =	vld [tilespmem:s31+$0xFFFFF380]  }
0x112: {  	v20 =	vshll.u32 v20, $0x3;
	v31 =	vshll.u32 v25, $0x1;
	v21 =	vand.u32 $0x4, v21  }
0x113: {  	v32 =	vand.u32 $0x18, v20;
	v20 =	vand.u32 $0x4, v24;
	v25 =	vand.u32 $0x4, v23  }
0x114: {  	v24 =	vand.u32 $0x4, v30;
	v26 =	vand.u32 $0x4, v26;
	v32 =	vshra.s32 v22, v32  }
0x115: {  	v23 =	vand.u32 $0x4, v31;
	v22 =	vand.u32 $0x4, v29;
	v29 =	vshrl.u32 v32, $0x2;
	v36 =	vld.idx.msk [tilespmem:v27+s2+$0x0], $0xffff  }
0x116: {  	v30 =	vshrl.u32 v32, $0x1;
	v27 =	vand.u32 $0x20, v32;
	v37 =	vshra.s32 v34, $0x2  }
0x117: {  	v38 =	vshll.u32 v32, $0x5;
	v39 =	vshll.u32 v32, $0x2;
	v31 =	vshll.u32 v32, $0x1  }
0x118: {  	v40 =	vshll.u32 v32, $0x4;
	v41 =	vshll.u32 v32, $0x3;
	v33 =	vand.u32 $0x20, v29  }
0x119: {  	v28 =	vshll.u32 v28, $0x3;
	v31 =	vand.u32 $0x20, v31;
	v35 =	vand.u32 $0x20, v30;
	v42 =	vld [tilespmem:s31+$0xFFFFE0C0]  }
0x11a: {  	v28 =	vand.u32 $0x18, v28;
	v30 =	vand.u32 $0x20, v38;
	v32 =	vand.u32 $0x20, v39  }
0x11b: {  	v29 =	vand.u32 $0x20, v40;
	v36 =	vshra.s32 v36, v28;
	v28 =	vand.u32 $0x20, v41;
	v37 =	vld.idx.msk [tilespmem:v37+s2+$0x0], $0xffff  }
0x11c: {  	v38 =	vshrl.u32 v36, $0x2;
	v39 =	vshrl.u32 v36, $0x3;
	v40 =	vshrl.u32 v36, $0x4  }
0x11d: {  	v41 =	vshll.u32 v36, $0x3;
	v46 =	vand.u32 $0x8, v36;
	v43 =	vshrl.u32 v36, $0x1  }
0x11e: {  	v47 =	vshll.u32 v36, $0x2;
	v48 =	vshll.u32 v36, $0x1;
	v44 =	vshra.s32 v42, $0x2  }
0x11f: {  	v34 =	vshll.u32 v34, $0x3;
	v50 =	vand.u32 $0x8, v39;
	v39 =	vand.u32 $0x8, v40;
	v45 =	vld [tilespmem:s31+$0xFFFFE700]  }
0x120: {  	v34 =	vand.u32 $0x18, v34;
	v40 =	vand.u32 $0x8, v43;
	v38 =	vand.u32 $0x8, v38  }
0x121: {  	v36 =	vand.u32 $0x8, v41;
	v43 =	vshra.s32 v37, v34;
	v37 =	vand.u32 $0x8, v48  }
0x122: {  	v34 =	vand.u32 $0x8, v47;
	v41 =	vshrl.u32 v43, $0x2;
	v47 =	vshrl.u32 v43, $0x3  }
0x123: {  	v48 =	vshll.u32 v43, $0x1;
	v49 =	vand.u32 $0x10, v43;
	v51 =	vshrl.u32 v43, $0x1;
	v44 =	vld.idx.msk [tilespmem:v44+s2+$0x0], $0xffff  }
0x124: {  	v53 =	vshll.u32 v43, $0x4;
	v54 =	vshll.u32 v43, $0x2;
	v52 =	vshra.s32 v45, $0x2  }
.Ltmp0:
0x125: {  	v55 =	vshll.u32 v43, $0x3;
	v56 =	vand.u32 $0x10, v41;
	v47 =	vand.u32 $0x10, v47;
	(pc) =	sbr.rel @p0 .LBB2_3-.Ltmp0, $4  }
0x126: {  	v48 =	vand.u32 $0x10, v48;
	v40 =	vor.u32 v49, v40;
	v51 =	vand.u32 $0x10, v51  }
0x127: {  	v41 =	vshll.u32 v42, $0x3;
	v42 =	vand.u32 $0x10, v53;
	v43 =	vand.u32 $0x10, v54  }
0x128: {  	v49 =	vand.u32 $0x18, v41;
	v41 =	vand.u32 $0x10, v55;
	v39 =	vor.u32 v47, v39  }
0x129: {  	s1 =	sadd.s32 $0x10, s1;
	v38 =	vor.u32 v51, v38;
	v49 =	vshra.s32 v44, v49;
	v44 =	vor.u32 v56, v50;
	v47 =	vld.idx.msk [tilespmem:v52+s2+$0x0], $0xffff  }
0x12a: {  	v46 =	vor.u32 v48, v46;
	v61 =	vshll.u32 v49, $0x1;
	v50 =	vand.u32 $0x80, v49  }
0x12b: {  	v51 =	vshll.u32 v49, $0x4;
	v52 =	vshll.u32 v49, $0x3;
	v53 =	vshll.u32 v49, $0x2  }
0x12c: {  	v54 =	vshll.u32 v49, $0x7;
	v55 =	vshll.u32 v49, $0x6;
	v62 =	vshll.u32 v49, $0x5  }
0x12d: {  	v45 =	vshll.u32 v45, $0x3;
	v26 =	vor.u32 v26, v40;
	v36 =	vor.u32 v42, v36  }
0x12e: {  	v37 =	vor.u32 v43, v37;
	v53 =	vand.u32 $0x80, v53;
	v48 =	vand.u32 $0x80, v61  }
0x12f: {  	v45 =	vand.u32 $0x18, v45;
	v51 =	vand.u32 $0x80, v51;
	v52 =	vand.u32 $0x80, v52  }
0x130: {  	v49 =	vand.u32 $0x80, v62;
	v45 =	vshra.s32 v47, v45;
	v47 =	vand.u32 $0x80, v54  }
0x131: {  	v54 =	vand.u32 $0x80, v55;
	v55 =	vand.u32 $0x40, v45;
	v56 =	vshrl.u32 v45, $0x1  }
0x132: {  	v57 =	vshll.u32 v45, $0x3;
	v58 =	vshll.u32 v45, $0x2;
	v59 =	vshll.u32 v45, $0x1  }
0x133: {  	v60 =	vshll.u32 v45, $0x6;
	v61 =	vshll.u32 v45, $0x5;
	v45 =	vshll.u32 v45, $0x4  }
0x134: {  	v58 =	vand.u32 $0x40, v58;
	v59 =	vand.u32 $0x40, v59;
	v56 =	vand.u32 $0x40, v56  }
0x135: {  	v60 =	vand.u32 $0x40, v60;
	v45 =	vand.u32 $0x40, v45;
	v57 =	vand.u32 $0x40, v57  }
0x136: {  	v61 =	vand.u32 $0x40, v61;
	v48 =	vor.u32 v48, v55;
	v50 =	vor.u32 v50, v56  }
0x137: {  	v51 =	vor.u32 v51, v57;
	v52 =	vor.u32 v52, v58;
	v53 =	vor.u32 v53, v59  }
0x138: {  	v47 =	vor.u32 v47, v60;
	v45 =	vor.u32 v49, v45;
	v35 =	vor.u32 v35, v48  }
0x139: {  	v63 =	vor.u32 v54, v61;
	v33 =	vor.u32 v33, v50;
	v35 =	vshrl.u32 v35, $0x5  }
0x13a: {  	v27 =	vor.u32 v27, v53;
	v33 =	vshrl.u32 v33, $0x5;
	v35 =	vor.u32 v35, v10  }
0x13b: {  	v31 =	vor.u32 v31, v52;
	v27 =	vshrl.u32 v27, $0x5;
	v33 =	vor.u32 v33, v10  }
0x13c: {  	v32 =	vor.u32 v32, v51;
	v31 =	vshrl.u32 v31, $0x5;
	v27 =	vor.u32 v27, v10  }
0x13d: {  	v30 =	vor.u32 v30, v47;
	v32 =	vshrl.u32 v32, $0x5;
	v31 =	vor.u32 v31, v10  }
0x13e: {  	v29 =	vor.u32 v29, v63;
	v30 =	vshrl.u32 v30, $0x5;
	v32 =	vor.u32 v32, v10  }
0x13f: {  	v28 =	vor.u32 v28, v45;
	v29 =	vshrl.u32 v29, $0x5;
	v30 =	vor.u32 v30, v10;
	v35 =	vld.idx.msk [tilespmem:v35+s25+$0x0], $0xffff  }
0x140: {  	v25 =	vor.u32 v25, v44;
	v28 =	vshrl.u32 v28, $0x5;
	v29 =	vor.u32 v29, v10;
	v33 =	vld.idx.msk [tilespmem:v33+s25+$0x0], $0xffff  }
0x141: {  	v21 =	vor.u32 v21, v39;
	v20 =	vor.u32 v20, v38;
	v53 =	vor.u32 v28, v10;
	v27 =	vld.idx.msk [tilespmem:v27+s25+$0x0], $0xffff  }
0x142: {  	v24 =	vor.u32 v24, v46;
	v18 =	vor.u32 v18, v26;
	v22 =	vor.u32 v22, v36;
	v31 =	vld.idx.msk [tilespmem:v31+s25+$0x0], $0xffff  }
0x143: {  	v19 =	vor.u32 v19, v37;
	v17 =	vor.u32 v17, v20;
	v12 =	vor.u32 v12, v25;
	v55 =	vld.idx.msk [tilespmem:v32+s25+$0x0], $0xffff  }
0x144: {  	v13 =	vor.u32 v13, v21;
	v16 =	vor.u32 v16, v22;
	v15 =	vor.u32 v15, v24;
	v56 =	vld.idx.msk [tilespmem:v30+s25+$0x0], $0xffff  }
0x145: {  	v9 =	vor.u32 v9, v18;
	v14 =	vor.u32 v14, v19;
	v54 =	vor.u32 v41, v34;
	v57 =	vld.idx.msk [tilespmem:v29+s25+$0x0], $0xffff  }
0x146: {  	v3 =	vor.u32 v3, v13;
	v4 =	vor.u32 v4, v17;
	v23 =	vor.u32 v23, v54;
	v10 =	vld.idx.msk [tilespmem:v53+s25+$0x0], $0xffff  }
0x147: {  	v5 =	vor.u32 v5, v12;
	v8 =	vor.u32 v8, v15;
	v11 =	vor.u32 v11, v23  }
0x148: {  	v2 =	vor.u32 v2, v16;
	v7 =	vor.u32 v7, v14;
	v6 =	vor.u32 v6, v11  }
0x149: {  	v5 =	vshrl.u32 v35, v5;
	v4 =	vshrl.u32 v27, v4;
	v3 =	vshrl.u32 v33, v3  }
0x14a: {  	v6 =	vshrl.u32 v57, v6;
	v8 =	vshrl.u32 v55, v8;
	v9 =	vshrl.u32 v31, v9  }
0x14b: {  	v2 =	vshrl.u32 v56, v2;
	v7 =	vshrl.u32 v10, v7;
	v6 =	vshll.u32 v6, $0x1  }
0x14c: {  	v2 =	vand.u32 $0x1, v2;
	v7 =	vshll.u32 v7, $0x2;
	v6 =	vand.u32 $0x2, v6  }
0x14d: {  	v59 =	vshll.u32 v8, $0x3;
	v58 =	vand.u32 $0x4, v7;
	v2 =	vor.u32 v2, v6  }
0x14e: {  	v61 =	vshll.u32 v9, $0x4;
	v60 =	vand.u32 $0x8, v59;
	v2 =	vor.u32 v58, v2  }
0x14f: {  	v4 =	vshll.u32 v4, $0x5;
	v62 =	vand.u32 $0x10, v61;
	v2 =	vor.u32 v60, v2  }
0x150: {  	s0 =	smul.u32 $0xC800, s29;
	v5 =	vshll.u32 v5, $0x6;
	v4 =	vand.u32 $0x20, v4;
	v2 =	vor.u32 v62, v2  }
0x151: {  	v63 =	vand.u32 $0x40, v5;
	v3 =	vshll.u32 v3, $0x7;
	v2 =	vor.u32 v4, v2  }
0x152: {  	s29 =	sadd.s32 $0x1, s29;
	s0 =	sadd.s32 s3, s0;
	v3 =	vand.u32 $0x80, v3;
	v2 =	vor.u32 v63, v2  }
0x153: {  	s1 =	sadd.s32 $0x10, s30;
	p0 =	sne.s32 s29, $0x10;
	s0 =	sshrl.u32 s0, $0x3;
	v2 =	vor.u32 v3, v2  }
.Ltmp1:
0x154: {  	s0 =	sadd.s32 s5, s0;
	[tilespmem:s1+$0x0] =	vst v2;
	(pc) =	sbr.rel @p0 .LBB2_2-.Ltmp1, $4  }
0x155: {  	[hbm4b:s0+s2] =	stream.linear.scatter [tilespmem:s26], [sflag:$0x1], $0x640, $0x38;
	[tilespmem:$0x9C80] =	vst v63  }
0x156: {  	_ =	swait.ge [sflag:s17], $0x640  }
0x157: {  	[sflag:s17] =	ssyncset.done $0x0  }
0x158: {  	[sflag:s17] =	ssyncadd.s32 $0xFFFFF9C0  }
0x159: {  	s28 =	sadd.s32 $0x1, s28  }
0x15a: {  	p0 =	sne.s32 s28, s15  }
.Ltmp2:
0x15b: {  	_ = 	snop;
	(pc) =	sbr.rel @p0 .LBB2_1-.Ltmp2, $1  }
0x15c: {  	_ =	sdelay $0x3  }
0x15d: {  	_ =	sfence.sel $0x180000  }
0x15e: {  	[bflag:$0x0] =	sbarrier.arrive $0xFFFF  }
0x15f: {  	_ =	strace $0x90000047  }
0x160: {  	s0 =	stileid.u32;
	[bflag:$0x2] =	sbarrier.arrive $0xFFFF  }
0x161: {  	p0 =	sne.s32 s0, $0x0;
	s0 =	rddreg [dreg:$0x1]  }
0x162: {  	s0 =	sadd.s32 @!p0 $0x100000, s0  }
0x163: {  	[sflag:s0] =	ssyncadd.tile.s32 @!p0 $0x1;
	_ =	shalt  }
.Lfunc_end2:
_tile_overlayer_lowered:
.L_overlay_start_2:
0x164: {  	(tag) =	ssettag $0x2  }
0x165: {  	s0 =	rddreg [dreg:$0x0];
	s2 =	stileid.u32  }
0x166: {  	s1 =	rddreg [dreg:$0x1];
	p0 =	sne.s32 s2, $0x0  }
0x167: {  	s3 =	rddreg [dreg:$0x2];
	[bflag:$0x3] =	sbarrier.arrive $0xFFFF;
	s2 =	simm.s32 @!p0 $0x1C01  }
0x168: {  	[timem:s3], [sflag:s2] =	dma.local @!p0 [hbm:s0], s1  }
0x169: {  	s0 =	simm.s32 @!p0 $0x1  }
0x16a: {  	_ =	swait.ge @!p0 [sflag:s0], s1  }
0x16b: {  	s1 =	ssub.s32 @!p0 $0x0, s1;
	[sflag:s0] =	ssyncset.done @!p0 $0x0  }
0x16c: {  	[sflag:s0] =	ssyncadd.s32 @!p0 s1  }
0x16d: {  	[bflag:$0x3] =	sbarrier.arrive $0xFFFF  }
0x16e: {  	_ =	shalt  }

</sc_bundles>
